<compile_context>
chip_gen: v7x
topology: tpu7x:2x2x1
jax: 0.10.2.dev20260603
libtpu: 0.0.44.dev20260713+nightly
codegen_flags: <defaults>
</compile_context>

<pallas_src>
import functools

import jax
import jax.numpy as jnp
from jax import lax
from jax.experimental import pallas as pl
from jax.experimental.pallas import tpu as pltpu
from jax.experimental.pallas import tpu_sc as plsc

S = 2048
D = 768
E = 64
F = 2304
FB = 1152
RC = 64
SP = S + RC
CH = 256
NC, NS = 2, 16
NW = NC * NS
TPW = S // NW

LBL_COEF = 0.01
RZL_COEF = 0.001


def _router_body(x_ref, rw_ref, pos_ref, loads_ref, lbl_ref, rzl_ref,
                 cnt_ref, off_ref):
    xf = x_ref[...]
    logits = jnp.dot(xf, rw_ref[...], preferred_element_type=jnp.float32)
    m = jnp.max(logits, axis=1, keepdims=True)
    ex = jnp.exp(logits - m)
    den = jnp.sum(ex, axis=1, keepdims=True)
    lane = lax.broadcasted_iota(jnp.int32, (S, E), 1)
    top1 = jnp.min(jnp.where(logits == m, lane, E), axis=1, keepdims=True)
    hot = (lane == top1).astype(jnp.float32)
    counts = jnp.sum(hot, axis=0, keepdims=True)
    ei = lax.broadcasted_iota(jnp.int32, (E, E), 0)
    ej = lax.broadcasted_iota(jnp.int32, (E, E), 1)
    tl_e = (ei < ej).astype(jnp.float32)
    offs = jnp.dot(counts, tl_e, preferred_element_type=jnp.float32,
                   precision=lax.Precision.HIGHEST)
    ri = lax.broadcasted_iota(jnp.int32, (CH, CH), 0)
    rj = lax.broadcasted_iota(jnp.int32, (CH, CH), 1)
    tri = (rj < ri).astype(jnp.float32)
    carry = jnp.zeros((1, E), jnp.float32)
    for c in range(S // CH):
        hc = hot[c * CH:(c + 1) * CH, :]
        r = jnp.dot(tri, hc, preferred_element_type=jnp.float32,
                    precision=lax.Precision.HIGHEST) + carry + offs
        pos_c = jnp.sum(r * hc, axis=1, keepdims=True)
        pos_ref[c * CH:(c + 1) * CH, :] = pos_c.astype(jnp.int32)
        carry = carry + jnp.sum(hc, axis=0, keepdims=True)
    loads = counts / S
    p_mean = jnp.sum(ex / den, axis=0, keepdims=True) / S
    lbl = LBL_COEF * jnp.sum(loads * E * p_mean)
    z = m + jnp.log(den)
    rzl = RZL_COEF * jnp.sum(z * z) / S
    loads_ref[...] = loads
    lbl_ref[...] = jnp.reshape(lbl, (1, 1))
    rzl_ref[...] = jnp.reshape(rzl, (1, 1))
    cnt_ref[...] = counts.astype(jnp.int32)
    off_ref[...] = offs.astype(jnp.int32)


_router = pl.pallas_call(
    _router_body,
    out_shape=[
        jax.ShapeDtypeStruct((S, 1), jnp.int32),
        jax.ShapeDtypeStruct((1, E), jnp.float32),
        jax.ShapeDtypeStruct((1, 1), jnp.float32),
        jax.ShapeDtypeStruct((1, 1), jnp.float32),
        jax.ShapeDtypeStruct((1, E), jnp.int32),
        jax.ShapeDtypeStruct((1, E), jnp.int32),
    ],
)


def _ffn_body(cnt_ref, off_ref, x_ref, w1_ref, w2_ref, w3_ref, o_ref):
    e = pl.program_id(0)
    j = pl.program_id(1)
    n = cnt_ref[0, e]
    off = off_ref[0, e]
    w1 = w1_ref[0]
    w2 = w2_ref[0]
    w3 = w3_ref[0]
    a0 = (off // 8) * 8
    nch = (off + n - a0 + (RC - 1)) // RC

    w1b = w1.astype(jnp.bfloat16)
    w2b = w2.astype(jnp.bfloat16)
    w3b = w3.astype(jnp.bfloat16)

    def body(i, _):
        st = pl.multiple_of(a0 + i * RC, 8)
        xs = x_ref[pl.ds(st, RC), :].astype(jnp.bfloat16)
        h1 = jnp.dot(xs, w1b, preferred_element_type=jnp.float32)
        h2 = jnp.dot(xs, w2b, preferred_element_type=jnp.float32)
        g = (h1 * jax.nn.sigmoid(h1) * h2).astype(jnp.bfloat16)
        o = jnp.dot(g, w3b, preferred_element_type=jnp.float32)
        gr = st + lax.broadcasted_iota(jnp.int32, (RC, 1), 0)
        keep = (gr >= off) & (gr < off + n)
        o_prev = o_ref[pl.ds(st, RC), :]
        acc = jnp.where(j == 0, jnp.zeros_like(o_prev), o_prev)
        o_ref[pl.ds(st, RC), :] = jnp.where(keep, o + acc, o_prev)
        return 0

    lax.fori_loop(0, nch, body, 0)


_ffn = pl.pallas_call(
    _ffn_body,
    grid=(E, F // FB),
    in_specs=[
        pl.BlockSpec(memory_space=pltpu.SMEM),
        pl.BlockSpec(memory_space=pltpu.SMEM),
        pl.BlockSpec((SP, D), lambda e, j: (0, 0)),
        pl.BlockSpec((1, D, FB), lambda e, j: (e, 0, j)),
        pl.BlockSpec((1, D, FB), lambda e, j: (e, 0, j)),
        pl.BlockSpec((1, FB, D), lambda e, j: (e, j, 0)),
    ],
    out_specs=pl.BlockSpec((SP, D), lambda e, j: (0, 0)),
    out_shape=jax.ShapeDtypeStruct((SP, D), jnp.float32),
)

@functools.cache
def _sc_kernels():
    mesh = plsc.VectorSubcoreMesh(core_axis_name="c", subcore_axis_name="s",
                                  num_cores=NC, num_subcores=NS)
    scratch = [
        pltpu.VMEM((TPW,), jnp.int32),
        pltpu.VMEM((TPW, D), jnp.float32),
        pltpu.SemaphoreType.DMA,
        pltpu.SemaphoreType.DMA,
    ]

    @functools.partial(
        pl.kernel,
        mesh=mesh,
        out_type=jax.ShapeDtypeStruct((SP, D), jnp.float32),
        scratch_types=scratch,
    )
    def sc_scatter(x_hbm, pos_hbm, o_hbm, idx_v, rows_v, sem, sem2):
        wid = lax.axis_index("s") * NC + lax.axis_index("c")
        base = wid * TPW
        c_idx = pltpu.async_copy(pos_hbm.at[pl.ds(base, TPW)], idx_v, sem)
        c_rows = pltpu.async_copy(x_hbm.at[pl.ds(base, TPW)], rows_v, sem2)
        c_idx.wait()
        c_rows.wait()
        pltpu.async_copy(rows_v, o_hbm.at[idx_v], sem).wait()

    @functools.partial(
        pl.kernel,
        mesh=mesh,
        out_type=jax.ShapeDtypeStruct((S, D), jnp.float32),
        scratch_types=scratch,
    )
    def sc_gather(t_hbm, pos_hbm, o_hbm, idx_v, rows_v, sem, sem2):
        wid = lax.axis_index("s") * NC + lax.axis_index("c")
        base = wid * TPW
        half = TPW // 2
        pltpu.sync_copy(pos_hbm.at[pl.ds(base, TPW)], idx_v)
        c_a = pltpu.async_copy(t_hbm.at[idx_v.at[pl.ds(0, half)]],
                               rows_v.at[pl.ds(0, half)], sem)
        c_b = pltpu.async_copy(t_hbm.at[idx_v.at[pl.ds(half, half)]],
                               rows_v.at[pl.ds(half, half)], sem2)
        c_a.wait()
        pltpu.sync_copy(rows_v.at[pl.ds(0, half)], o_hbm.at[pl.ds(base, half)])
        c_b.wait()
        pltpu.sync_copy(rows_v.at[pl.ds(half, half)],
                        o_hbm.at[pl.ds(base + half, half)])

    return sc_scatter, sc_gather


def kernel(x, router_w, w1, w2, w3):
    x_flat = jnp.reshape(x, (S, D))
    pos2, loads, lbl, rzl, counts, offs = _router(x_flat, router_w)
    pos = jnp.reshape(pos2, (S,))
    sc_scatter, sc_gather = _sc_kernels()
    x_sorted = sc_scatter(x_flat, pos)
    ffn_sorted = _ffn(counts, offs, x_sorted, w1, w2, w3)
    out = sc_gather(ffn_sorted, pos)
    return (jnp.reshape(out, (1, S, D)),
            jnp.reshape(loads, (E,)),
            jnp.reshape(lbl, ()),
            jnp.reshape(rzl, ()))

# --- scband reference (transcript-rebuilt; emitter-appended) ---
"""Pipeline reference for scband-moe-5686536700148 (READ-ONLY COPY).

The authoritative reference and input builder live on the scoring server;
editing this copy changes nothing except your own understanding.
"""

import jax, jax.numpy as jnp
import numpy as np

B, S, D = 1, 2048, 768
E, K, I = 64, 1, 2304
STD = 0.02
LBL_COEF = 0.01
RZL_COEF = 0.001


def _trunc_normal(key, shape, std):
    return std * jax.random.truncated_normal(key, -3.0, 3.0, shape)


def setup_inputs(seed: int = 0) -> dict:
    key = jax.random.key(seed)
    kx, kr, k1, k2, k3 = jax.random.split(key, 5)
    x = jax.random.normal(kx, (B, S, D), dtype=jnp.float32)
    router_w = _trunc_normal(kr, (D, E), STD)
    w1 = _trunc_normal(k1, (E, D, I), STD)
    w2 = _trunc_normal(k2, (E, D, I), STD)
    w3 = _trunc_normal(k3, (E, I, D), STD)
    return {"x": x, "router_w": router_w, "w1": w1, "w2": w2, "w3": w3}


def _grouped_linear(x_sorted, w, expert_ids):
    # Exact grouped (ragged) matmul with fixed shapes: rows are sorted by
    # expert id; each row is multiplied by its own expert's weight. Each
    # matmul output row depends only on its input row, so masking rows of a
    # full matmul per expert matches the ragged per-group slicing exactly.
    out = jnp.zeros((x_sorted.shape[0], w.shape[-1]), dtype=x_sorted.dtype)
    for e in range(E):
        mask = (expert_ids == e)[:, None]
        out = out + jnp.where(mask, x_sorted @ w[e], jnp.zeros((), x_sorted.dtype))
    return out


def reference(x, router_w, w1, w2, w3):
    Bv, Sv, Dv = x.shape
    x_flat = jnp.reshape(x, (Bv * Sv, Dv))
    router_logits = jnp.einsum('td,de->te', x_flat, router_w)
    # _route
    router_probs = jax.nn.softmax(router_logits, axis=-1)
    _scores, topk_idx = jax.lax.top_k(router_logits, K)
    topk_weights = jnp.take_along_axis(router_probs, topk_idx, axis=-1)
    topk_weights = topk_weights / jnp.sum(topk_weights, axis=-1, keepdims=True)
    topk_idx = topk_idx.astype(jnp.int32)
    topk_idx_flat = jnp.reshape(topk_idx, (Bv * Sv * K,))
    # _permute
    sort_idx = jnp.argsort(topk_idx_flat, axis=-1)
    x_repeat_sort = jnp.take(x_flat, sort_idx // K, axis=0)
    expert_ids_sort = jnp.take(topk_idx_flat, sort_idx, axis=0)
    group_sizes = jnp.bincount(topk_idx_flat, length=E).astype(jnp.int32)
    # expert FFN (SwiGLU)
    w1_out = _grouped_linear(x_repeat_sort, w1, expert_ids_sort)
    w2_out = _grouped_linear(x_repeat_sort, w2, expert_ids_sort)
    gated = jax.nn.silu(w1_out) * w2_out
    out_repeat_sort = _grouped_linear(gated, w3, expert_ids_sort)
    # _unpermute
    inv_sort_idx = jnp.argsort(sort_idx, axis=-1)
    out_repeat = jnp.take(out_repeat_sort, inv_sort_idx, axis=0)
    out_repeat_unflat = jnp.reshape(out_repeat, (-1, K, Dv))
    out_flat = jnp.sum(out_repeat_unflat * topk_weights[..., None], axis=1)
    out = jnp.reshape(out_flat, (Bv, Sv, Dv))
    # aux losses
    group_sizes_f = jnp.asarray(group_sizes, dtype=jnp.float32)
    expert_loads = group_sizes_f / jnp.sum(group_sizes_f)
    f = expert_loads * (E / K)
    p = jnp.mean(router_probs.astype(jnp.float32), axis=0)
    load_balancing_loss = jnp.asarray(LBL_COEF, jnp.float32) * jnp.sum(f * p)
    z = jax.nn.logsumexp(router_logits.astype(jnp.float32), axis=-1)
    router_z_loss = jnp.asarray(RZL_COEF, jnp.float32) * jnp.mean(z ** 2)
    return (out, expert_loads, load_balancing_loss, router_z_loss)

if __name__ == "__main__":
    import jax
    _d = setup_inputs()
    print(jax.jit(kernel)(*tuple(_d.values())))

</pallas_src>

<mosaic_0001>
#map = affine_map<(d0, d1) -> (0, 0)>
#map1 = affine_map<(d0, d1) -> (0)>
module attributes {stable_mosaic.version = 14 : i64} {
  func.func @sc_scatter(%arg0: i32, %arg1: i32, %arg2: memref<2048x768xf32, #tpu.memory_space<hbm>>, %arg3: memref<2048xi32, #tpu.memory_space<hbm>>, %arg4: memref<2112x768xf32, #tpu.memory_space<hbm>>, %arg5: memref<64xi32, #tpu.memory_space<vmem>>, %arg6: memref<64x768xf32, #tpu.memory_space<vmem>>, %arg7: memref<!tpu.dma_semaphore, #tpu.memory_space<semaphore_mem>>, %arg8: memref<!tpu.dma_semaphore, #tpu.memory_space<semaphore_mem>>) attributes {dimension_semantics = [#tpu.dimension_semantics<core_parallel>, #tpu.dimension_semantics<subcore_parallel>], iteration_bounds = array<i64: 2, 16>, scalar_prefetch = 0 : i64, scratch_operands = 4 : i64, tpu.core_type = #tpu.core_type<sc_vector_subcore>, window_params = [{transform_indices = #map}, {transform_indices = #map1}, {transform_indices = #map}]} {
    %mul3A = arith.constant 2 : i32
    %mul3A_0 = arith.muli %arg1, %mul3A : i32
    %add3A = arith.addi %mul3A_0, %arg0 : i32
    %mul3A_1 = arith.constant 64 : i32
    %mul3A_2 = arith.muli %add3A, %mul3A_1 : i32
    %dma_start3A = tpu.memref_slice %arg3[%mul3A_2] : memref<2048xi32, #tpu.memory_space<hbm>> -> memref<64xi32, #tpu.memory_space<hbm>>
    %dma_start3A_3 = tpu.memref_slice %arg3[%mul3A_2] : memref<2048xi32, #tpu.memory_space<hbm>> -> memref<64xi32, #tpu.memory_space<hbm>>
    tpu.enqueue_dma source(%dma_start3A_3 : memref<64xi32, #tpu.memory_space<hbm>>) target(%arg5 : memref<64xi32, #tpu.memory_space<vmem>>) target_semaphore(%arg7 : memref<!tpu.dma_semaphore, #tpu.memory_space<semaphore_mem>>)
    %dma_start3A_4 = arith.constant 0 : i32
    %dma_start3A_5 = tpu.memref_slice %arg2[%mul3A_2, %dma_start3A_4] : memref<2048x768xf32, #tpu.memory_space<hbm>> -> memref<64x768xf32, #tpu.memory_space<hbm>>
    %dma_start3A_6 = arith.constant 0 : i32
    %dma_start3A_7 = tpu.memref_slice %arg2[%mul3A_2, %dma_start3A_6] : memref<2048x768xf32, #tpu.memory_space<hbm>> -> memref<64x768xf32, #tpu.memory_space<hbm>>
    tpu.enqueue_dma source(%dma_start3A_7 : memref<64x768xf32, #tpu.memory_space<hbm>>) target(%arg6 : memref<64x768xf32, #tpu.memory_space<vmem>>) target_semaphore(%arg8 : memref<!tpu.dma_semaphore, #tpu.memory_space<semaphore_mem>>)
    %dma_wait3A = tpu.memref_slice %arg3[%mul3A_2] : memref<2048xi32, #tpu.memory_space<hbm>> -> memref<64xi32, #tpu.memory_space<hbm>>
    %dma_wait3A_8 = tpu.memref_slice %arg3[%mul3A_2] : memref<2048xi32, #tpu.memory_space<hbm>> -> memref<64xi32, #tpu.memory_space<hbm>>
    tpu.wait_dma2 semaphore(%arg7 : memref<!tpu.dma_semaphore, #tpu.memory_space<semaphore_mem>>) src(%dma_wait3A_8 : memref<64xi32, #tpu.memory_space<hbm>>) dst(%arg5 : memref<64xi32, #tpu.memory_space<vmem>>)
    %dma_wait3A_9 = arith.constant 0 : i32
    %dma_wait3A_10 = tpu.memref_slice %arg2[%mul3A_2, %dma_wait3A_9] : memref<2048x768xf32, #tpu.memory_space<hbm>> -> memref<64x768xf32, #tpu.memory_space<hbm>>
    %dma_wait3A_11 = arith.constant 0 : i32
    %dma_wait3A_12 = tpu.memref_slice %arg2[%mul3A_2, %dma_wait3A_11] : memref<2048x768xf32, #tpu.memory_space<hbm>> -> memref<64x768xf32, #tpu.memory_space<hbm>>
    tpu.wait_dma2 semaphore(%arg8 : memref<!tpu.dma_semaphore, #tpu.memory_space<semaphore_mem>>) src(%dma_wait3A_12 : memref<64x768xf32, #tpu.memory_space<hbm>>) dst(%arg6 : memref<64x768xf32, #tpu.memory_space<vmem>>)
    %dma_start3A_13 = arith.constant 0 : i32
    %dma_start3A_14 = arith.constant 0 : i32
    %dma_start3A_15 = tpu.memref_slice %arg4[%dma_start3A_13, %dma_start3A_14] : memref<2112x768xf32, #tpu.memory_space<hbm>> -> memref<2112x768xf32, #tpu.memory_space<hbm>>
    tpu.enqueue_indirect_dma source(%arg6 : memref<64x768xf32, #tpu.memory_space<vmem>>) target(%dma_start3A_15 : memref<2112x768xf32, #tpu.memory_space<hbm>>) offsets(%arg5 : memref<64xi32, #tpu.memory_space<vmem>>) semaphore(%arg7 : memref<!tpu.dma_semaphore, #tpu.memory_space<semaphore_mem>>)
    %dma_wait3A_16 = arith.constant 0 : i32
    %dma_wait3A_17 = arith.constant 0 : i32
    %dma_wait3A_18 = tpu.memref_slice %arg4[%dma_wait3A_16, %dma_wait3A_17] : memref<2112x768xf32, #tpu.memory_space<hbm>> -> memref<2112x768xf32, #tpu.memory_space<hbm>>
    tpu.wait_indirect_dma semaphore(%arg7 : memref<!tpu.dma_semaphore, #tpu.memory_space<semaphore_mem>>) src(%arg6 : memref<64x768xf32, #tpu.memory_space<vmem>>) dst(%dma_wait3A_18 : memref<2112x768xf32, #tpu.memory_space<hbm>>)
    return
  }
}

#map = affine_map<(d0, d1) -> (0, 0)>
#map1 = affine_map<(d0, d1) -> (0)>
module attributes {stable_mosaic.version = 14 : i64} {
  func.func @sc_gather(%arg0: i32, %arg1: i32, %arg2: memref<2112x768xf32, #tpu.memory_space<hbm>>, %arg3: memref<2048xi32, #tpu.memory_space<hbm>>, %arg4: memref<2048x768xf32, #tpu.memory_space<hbm>>, %arg5: memref<64xi32, #tpu.memory_space<vmem>>, %arg6: memref<64x768xf32, #tpu.memory_space<vmem>>, %arg7: memref<!tpu.dma_semaphore, #tpu.memory_space<semaphore_mem>>, %arg8: memref<!tpu.dma_semaphore, #tpu.memory_space<semaphore_mem>>) attributes {dimension_semantics = [#tpu.dimension_semantics<core_parallel>, #tpu.dimension_semantics<subcore_parallel>], iteration_bounds = array<i64: 2, 16>, scalar_prefetch = 0 : i64, scratch_operands = 4 : i64, tpu.core_type = #tpu.core_type<sc_vector_subcore>, window_params = [{transform_indices = #map}, {transform_indices = #map1}, {transform_indices = #map}]} {
    %mul3A = arith.constant 2 : i32
    %mul3A_0 = arith.muli %arg1, %mul3A : i32
    %add3A = arith.addi %mul3A_0, %arg0 : i32
    %mul3A_1 = arith.constant 64 : i32
    %mul3A_2 = arith.muli %add3A, %mul3A_1 : i32
    "tpu.region"() ({
      %run_scoped3A = tpu.sem_alloc : memref<!tpu.dma_semaphore, #tpu.memory_space<semaphore_mem>>
      %dma_start3A_35 = tpu.memref_slice %arg3[%mul3A_2] : memref<2048xi32, #tpu.memory_space<hbm>> -> memref<64xi32, #tpu.memory_space<hbm>>
      %dma_start3A_36 = tpu.memref_slice %arg3[%mul3A_2] : memref<2048xi32, #tpu.memory_space<hbm>> -> memref<64xi32, #tpu.memory_space<hbm>>
      tpu.enqueue_dma source(%dma_start3A_36 : memref<64xi32, #tpu.memory_space<hbm>>) target(%arg5 : memref<64xi32, #tpu.memory_space<vmem>>) target_semaphore(%run_scoped3A : memref<!tpu.dma_semaphore, #tpu.memory_space<semaphore_mem>>)
      %dma_wait3A_37 = tpu.memref_slice %arg3[%mul3A_2] : memref<2048xi32, #tpu.memory_space<hbm>> -> memref<64xi32, #tpu.memory_space<hbm>>
      %dma_wait3A_38 = tpu.memref_slice %arg3[%mul3A_2] : memref<2048xi32, #tpu.memory_space<hbm>> -> memref<64xi32, #tpu.memory_space<hbm>>
      tpu.wait_dma2 semaphore(%run_scoped3A : memref<!tpu.dma_semaphore, #tpu.memory_space<semaphore_mem>>) src(%dma_wait3A_38 : memref<64xi32, #tpu.memory_space<hbm>>) dst(%arg5 : memref<64xi32, #tpu.memory_space<vmem>>)
      tpu.yield
    }) : () -> ()
    %dma_start3A = arith.constant 0 : i32
    %dma_start3A_3 = arith.constant 0 : i32
    %dma_start3A_4 = tpu.memref_slice %arg6[%dma_start3A, %dma_start3A_3] : memref<64x768xf32, #tpu.memory_space<vmem>> -> memref<32x768xf32, #tpu.memory_space<vmem>>
    %dma_start3A_5 = arith.constant 0 : i32
    %dma_start3A_6 = tpu.memref_slice %arg5[%dma_start3A_5] : memref<64xi32, #tpu.memory_space<vmem>> -> memref<32xi32, #tpu.memory_space<vmem>>
    %dma_start3A_7 = arith.constant 0 : i32
    %dma_start3A_8 = arith.constant 0 : i32
    %dma_start3A_9 = tpu.memref_slice %arg2[%dma_start3A_7, %dma_start3A_8] : memref<2112x768xf32, #tpu.memory_space<hbm>> -> memref<2112x768xf32, #tpu.memory_space<hbm>>
    tpu.enqueue_indirect_dma source(%dma_start3A_9 : memref<2112x768xf32, #tpu.memory_space<hbm>>) target(%dma_start3A_4 : memref<32x768xf32, #tpu.memory_space<vmem>>) offsets(%dma_start3A_6 : memref<32xi32, #tpu.memory_space<vmem>>) semaphore(%arg7 : memref<!tpu.dma_semaphore, #tpu.memory_space<semaphore_mem>>)
    %dma_start3A_10 = arith.constant 32 : i32
    %dma_start3A_11 = arith.constant 0 : i32
    %dma_start3A_12 = tpu.memref_slice %arg6[%dma_start3A_10, %dma_start3A_11] : memref<64x768xf32, #tpu.memory_space<vmem>> -> memref<32x768xf32, #tpu.memory_space<vmem>>
    %dma_start3A_13 = arith.constant 32 : i32
    %dma_start3A_14 = tpu.memref_slice %arg5[%dma_start3A_13] : memref<64xi32, #tpu.memory_space<vmem>> -> memref<32xi32, #tpu.memory_space<vmem>>
    %dma_start3A_15 = arith.constant 0 : i32
    %dma_start3A_16 = arith.constant 0 : i32
    %dma_start3A_17 = tpu.memref_slice %arg2[%dma_start3A_15, %dma_start3A_16] : memref<2112x768xf32, #tpu.memory_space<hbm>> -> memref<2112x768xf32, #tpu.memory_space<hbm>>
    tpu.enqueue_indirect_dma source(%dma_start3A_17 : memref<2112x768xf32, #tpu.memory_space<hbm>>) target(%dma_start3A_12 : memref<32x768xf32, #tpu.memory_space<vmem>>) offsets(%dma_start3A_14 : memref<32xi32, #tpu.memory_space<vmem>>) semaphore(%arg8 : memref<!tpu.dma_semaphore, #tpu.memory_space<semaphore_mem>>)
    %dma_wait3A = arith.constant 0 : i32
    %dma_wait3A_18 = arith.constant 0 : i32
    %dma_wait3A_19 = tpu.memref_slice %arg6[%dma_wait3A, %dma_wait3A_18] : memref<64x768xf32, #tpu.memory_space<vmem>> -> memref<32x768xf32, #tpu.memory_space<vmem>>
    %dma_wait3A_20 = arith.constant 0 : i32
    %dma_wait3A_21 = tpu.memref_slice %arg5[%dma_wait3A_20] : memref<64xi32, #tpu.memory_space<vmem>> -> memref<32xi32, #tpu.memory_space<vmem>>
    %dma_wait3A_22 = arith.constant 0 : i32
    %dma_wait3A_23 = arith.constant 0 : i32
    %dma_wait3A_24 = tpu.memref_slice %arg2[%dma_wait3A_22, %dma_wait3A_23] : memref<2112x768xf32, #tpu.memory_space<hbm>> -> memref<2112x768xf32, #tpu.memory_space<hbm>>
    tpu.wait_indirect_dma semaphore(%arg7 : memref<!tpu.dma_semaphore, #tpu.memory_space<semaphore_mem>>) src(%dma_wait3A_24 : memref<2112x768xf32, #tpu.memory_space<hbm>>) dst(%dma_wait3A_19 : memref<32x768xf32, #tpu.memory_space<vmem>>)
    "tpu.region"() ({
      %run_scoped3A = tpu.sem_alloc : memref<!tpu.dma_semaphore, #tpu.memory_space<semaphore_mem>>
      %dma_start3A_35 = arith.constant 0 : i32
      %dma_start3A_36 = arith.constant 0 : i32
      %dma_start3A_37 = tpu.memref_slice %arg6[%dma_start3A_35, %dma_start3A_36] : memref<64x768xf32, #tpu.memory_space<vmem>> -> memref<32x768xf32, #tpu.memory_space<vmem>>
      %dma_start3A_38 = arith.constant 0 : i32
      %dma_start3A_39 = tpu.memref_slice %arg4[%mul3A_2, %dma_start3A_38] : memref<2048x768xf32, #tpu.memory_space<hbm>> -> memref<32x768xf32, #tpu.memory_space<hbm>>
      %dma_start3A_40 = arith.constant 0 : i32
      %dma_start3A_41 = tpu.memref_slice %arg4[%mul3A_2, %dma_start3A_40] : memref<2048x768xf32, #tpu.memory_space<hbm>> -> memref<32x768xf32, #tpu.memory_space<hbm>>
      %dma_start3A_42 = arith.constant 0 : i32
      %dma_start3A_43 = arith.constant 0 : i32
      %dma_start3A_44 = tpu.memref_slice %arg6[%dma_start3A_42, %dma_start3A_43] : memref<64x768xf32, #tpu.memory_space<vmem>> -> memref<32x768xf32, #tpu.memory_space<vmem>>
      tpu.enqueue_dma source(%dma_start3A_44 : memref<32x768xf32, #tpu.memory_space<vmem>>) target(%dma_start3A_41 : memref<32x768xf32, #tpu.memory_space<hbm>>) target_semaphore(%run_scoped3A : memref<!tpu.dma_semaphore, #tpu.memory_space<semaphore_mem>>)
      %dma_wait3A_45 = arith.constant 0 : i32
      %dma_wait3A_46 = arith.constant 0 : i32
      %dma_wait3A_47 = tpu.memref_slice %arg6[%dma_wait3A_45, %dma_wait3A_46] : memref<64x768xf32, #tpu.memory_space<vmem>> -> memref<32x768xf32, #tpu.memory_space<vmem>>
      %dma_wait3A_48 = arith.constant 0 : i32
      %dma_wait3A_49 = tpu.memref_slice %arg4[%mul3A_2, %dma_wait3A_48] : memref<2048x768xf32, #tpu.memory_space<hbm>> -> memref<32x768xf32, #tpu.memory_space<hbm>>
      %dma_wait3A_50 = arith.constant 0 : i32
      %dma_wait3A_51 = tpu.memref_slice %arg4[%mul3A_2, %dma_wait3A_50] : memref<2048x768xf32, #tpu.memory_space<hbm>> -> memref<32x768xf32, #tpu.memory_space<hbm>>
      %dma_wait3A_52 = arith.constant 0 : i32
      %dma_wait3A_53 = arith.constant 0 : i32
      %dma_wait3A_54 = tpu.memref_slice %arg6[%dma_wait3A_52, %dma_wait3A_53] : memref<64x768xf32, #tpu.memory_space<vmem>> -> memref<32x768xf32, #tpu.memory_space<vmem>>
      tpu.wait_dma2 semaphore(%run_scoped3A : memref<!tpu.dma_semaphore, #tpu.memory_space<semaphore_mem>>) src(%dma_wait3A_54 : memref<32x768xf32, #tpu.memory_space<vmem>>) dst(%dma_wait3A_51 : memref<32x768xf32, #tpu.memory_space<hbm>>)
      tpu.yield
    }) : () -> ()
    %dma_wait3A_25 = arith.constant 32 : i32
    %dma_wait3A_26 = arith.constant 0 : i32
    %dma_wait3A_27 = tpu.memref_slice %arg6[%dma_wait3A_25, %dma_wait3A_26] : memref<64x768xf32, #tpu.memory_space<vmem>> -> memref<32x768xf32, #tpu.memory_space<vmem>>
    %dma_wait3A_28 = arith.constant 32 : i32
    %dma_wait3A_29 = tpu.memref_slice %arg5[%dma_wait3A_28] : memref<64xi32, #tpu.memory_space<vmem>> -> memref<32xi32, #tpu.memory_space<vmem>>
    %dma_wait3A_30 = arith.constant 0 : i32
    %dma_wait3A_31 = arith.constant 0 : i32
    %dma_wait3A_32 = tpu.memref_slice %arg2[%dma_wait3A_30, %dma_wait3A_31] : memref<2112x768xf32, #tpu.memory_space<hbm>> -> memref<2112x768xf32, #tpu.memory_space<hbm>>
    tpu.wait_indirect_dma semaphore(%arg8 : memref<!tpu.dma_semaphore, #tpu.memory_space<semaphore_mem>>) src(%dma_wait3A_32 : memref<2112x768xf32, #tpu.memory_space<hbm>>) dst(%dma_wait3A_27 : memref<32x768xf32, #tpu.memory_space<vmem>>)
    %add3A_33 = arith.constant 32 : i32
    %add3A_34 = arith.addi %mul3A_2, %add3A_33 : i32
    "tpu.region"() ({
      %run_scoped3A = tpu.sem_alloc : memref<!tpu.dma_semaphore, #tpu.memory_space<semaphore_mem>>
      %dma_start3A_35 = arith.constant 32 : i32
      %dma_start3A_36 = arith.constant 0 : i32
      %dma_start3A_37 = tpu.memref_slice %arg6[%dma_start3A_35, %dma_start3A_36] : memref<64x768xf32, #tpu.memory_space<vmem>> -> memref<32x768xf32, #tpu.memory_space<vmem>>
      %dma_start3A_38 = arith.constant 0 : i32
      %dma_start3A_39 = tpu.memref_slice %arg4[%add3A_34, %dma_start3A_38] : memref<2048x768xf32, #tpu.memory_space<hbm>> -> memref<32x768xf32, #tpu.memory_space<hbm>>
      %dma_start3A_40 = arith.constant 0 : i32
      %dma_start3A_41 = tpu.memref_slice %arg4[%add3A_34, %dma_start3A_40] : memref<2048x768xf32, #tpu.memory_space<hbm>> -> memref<32x768xf32, #tpu.memory_space<hbm>>
      %dma_start3A_42 = arith.constant 32 : i32
      %dma_start3A_43 = arith.constant 0 : i32
      %dma_start3A_44 = tpu.memref_slice %arg6[%dma_start3A_42, %dma_start3A_43] : memref<64x768xf32, #tpu.memory_space<vmem>> -> memref<32x768xf32, #tpu.memory_space<vmem>>
      tpu.enqueue_dma source(%dma_start3A_44 : memref<32x768xf32, #tpu.memory_space<vmem>>) target(%dma_start3A_41 : memref<32x768xf32, #tpu.memory_space<hbm>>) target_semaphore(%run_scoped3A : memref<!tpu.dma_semaphore, #tpu.memory_space<semaphore_mem>>)
      %dma_wait3A_45 = arith.constant 32 : i32
      %dma_wait3A_46 = arith.constant 0 : i32
      %dma_wait3A_47 = tpu.memref_slice %arg6[%dma_wait3A_45, %dma_wait3A_46] : memref<64x768xf32, #tpu.memory_space<vmem>> -> memref<32x768xf32, #tpu.memory_space<vmem>>
      %dma_wait3A_48 = arith.constant 0 : i32
      %dma_wait3A_49 = tpu.memref_slice %arg4[%add3A_34, %dma_wait3A_48] : memref<2048x768xf32, #tpu.memory_space<hbm>> -> memref<32x768xf32, #tpu.memory_space<hbm>>
      %dma_wait3A_50 = arith.constant 0 : i32
      %dma_wait3A_51 = tpu.memref_slice %arg4[%add3A_34, %dma_wait3A_50] : memref<2048x768xf32, #tpu.memory_space<hbm>> -> memref<32x768xf32, #tpu.memory_space<hbm>>
      %dma_wait3A_52 = arith.constant 32 : i32
      %dma_wait3A_53 = arith.constant 0 : i32
      %dma_wait3A_54 = tpu.memref_slice %arg6[%dma_wait3A_52, %dma_wait3A_53] : memref<64x768xf32, #tpu.memory_space<vmem>> -> memref<32x768xf32, #tpu.memory_space<vmem>>
      tpu.wait_dma2 semaphore(%run_scoped3A : memref<!tpu.dma_semaphore, #tpu.memory_space<semaphore_mem>>) src(%dma_wait3A_54 : memref<32x768xf32, #tpu.memory_space<vmem>>) dst(%dma_wait3A_51 : memref<32x768xf32, #tpu.memory_space<hbm>>)
      tpu.yield
    }) : () -> ()
    return
  }
}

module attributes {stable_mosaic.version = 14 : i64} {
  func.func @_ffn_body(%arg0: i32, %arg1: i32, %arg2: memref<1x64xi32, #tpu.memory_space<smem>>, %arg3: memref<1x64xi32, #tpu.memory_space<smem>>, %arg4: memref<2112x768xf32, #tpu.memory_space<vmem>>, %arg5: memref<1x768x1152xf32, #tpu.memory_space<vmem>>, %arg6: memref<1x768x1152xf32, #tpu.memory_space<vmem>>, %arg7: memref<1x1152x768xf32, #tpu.memory_space<vmem>>, %arg8: memref<2112x768xf32, #tpu.memory_space<vmem>>) attributes {dimension_semantics = [#tpu.dimension_semantics<arbitrary>, #tpu.dimension_semantics<arbitrary>], iteration_bounds = array<i64: 64, 2>, scalar_prefetch = 0 : i64, scratch_operands = 0 : i64, tpu.core_type = #tpu.core_type<tc>, window_params = [{transform_indices = @transform_0, window_bounds = array<i64: 1, 64>}, {transform_indices = @transform_1, window_bounds = array<i64: 1, 64>}, {pipeline_mode = #tpu.pipeline_mode<synchronous>, transform_indices = @transform_2, window_bounds = array<i64: 2112, 768>}, {transform_indices = @transform_3, window_bounds = array<i64: 1, 768, 1152>}, {transform_indices = @transform_4, window_bounds = array<i64: 1, 768, 1152>}, {transform_indices = @transform_5, window_bounds = array<i64: 1, 1152, 768>}, {pipeline_mode = #tpu.pipeline_mode<synchronous>, transform_indices = @transform_6, window_bounds = array<i64: 2112, 768>}]} {
    %get3A = arith.constant 0 : index
    %get3A_0 = arith.index_cast %arg0 : i32 to index
    %get3A_1 = memref.load %arg2[%get3A, %get3A_0] : memref<1x64xi32, #tpu.memory_space<smem>>
    %get3A_2 = arith.constant 0 : index
    %get3A_3 = arith.index_cast %arg0 : i32 to index
    %get3A_4 = memref.load %arg3[%get3A_2, %get3A_3] : memref<1x64xi32, #tpu.memory_space<smem>>
    %get3A_5 = arith.constant 0 : index
    %get3A_6 = arith.constant 0 : index
    %get3A_7 = arith.constant 0 : index
    %get3A_8 = vector.load %arg5[%get3A_5, %get3A_6, %get3A_7] : memref<1x768x1152xf32, #tpu.memory_space<vmem>>, vector<1x768x1152xf32>
    %get3A_9 = vector.shape_cast %get3A_8 : vector<1x768x1152xf32> to vector<768x1152xf32>
    %get3A_10 = arith.constant 0 : index
    %get3A_11 = arith.constant 0 : index
    %get3A_12 = arith.constant 0 : index
    %get3A_13 = vector.load %arg6[%get3A_10, %get3A_11, %get3A_12] : memref<1x768x1152xf32, #tpu.memory_space<vmem>>, vector<1x768x1152xf32>
    %get3A_14 = vector.shape_cast %get3A_13 : vector<1x768x1152xf32> to vector<768x1152xf32>
    %get3A_15 = arith.constant 0 : index
    %get3A_16 = arith.constant 0 : index
    %get3A_17 = arith.constant 0 : index
    %get3A_18 = vector.load %arg7[%get3A_15, %get3A_16, %get3A_17] : memref<1x1152x768xf32, #tpu.memory_space<vmem>>, vector<1x1152x768xf32>
    %get3A_19 = vector.shape_cast %get3A_18 : vector<1x1152x768xf32> to vector<1152x768xf32>
    %jit3A = arith.constant 8 : i32
    %div3A = arith.divsi %get3A_4, %jit3A : i32
    %sign3A = arith.constant 0 : i32
    %sign3A_20 = arith.cmpi sgt, %get3A_4, %sign3A : i32
    %sign3A_21 = arith.extui %sign3A_20 : i1 to i32
    %sign3A_22 = arith.constant 0 : i32
    %sign3A_23 = arith.cmpi slt, %get3A_4, %sign3A_22 : i32
    %sign3A_24 = arith.extui %sign3A_23 : i1 to i32
    %sign3A_25 = arith.subi %sign3A_21, %sign3A_24 : i32
    %sign3A_26 = arith.constant 0 : i32
    %sign3A_27 = arith.cmpi sgt, %jit3A, %sign3A_26 : i32
    %sign3A_28 = arith.extui %sign3A_27 : i1 to i32
    %sign3A_29 = arith.constant 0 : i32
    %sign3A_30 = arith.cmpi slt, %jit3A, %sign3A_29 : i32
    %sign3A_31 = arith.extui %sign3A_30 : i1 to i32
    %sign3A_32 = arith.subi %sign3A_28, %sign3A_31 : i32
    %ne3A = arith.cmpi ne, %sign3A_25, %sign3A_32 : i32
    %rem3A = arith.remsi %get3A_4, %jit3A : i32
    %ne3A_33 = arith.constant 0 : i32
    %ne3A_34 = arith.cmpi ne, %rem3A, %ne3A_33 : i32
    %and3A = arith.andi %ne3A, %ne3A_34 : i1
    %sub3A = arith.constant 1 : i32
    %sub3A_35 = arith.subi %div3A, %sub3A : i32
    %select_n3A = arith.select %and3A, %sub3A_35, %div3A : i32
    %mul3A = arith.constant 8 : i32
    %mul3A_36 = arith.muli %select_n3A, %mul3A : i32
    %add3A = arith.addi %get3A_4, %get3A_1 : i32
    %sub3A_37 = arith.subi %add3A, %mul3A_36 : i32
    %add3A_38 = arith.constant 63 : i32
    %add3A_39 = arith.addi %sub3A_37, %add3A_38 : i32
    %jit3A_40 = arith.constant 64 : i32
    %div3A_41 = arith.divsi %add3A_39, %jit3A_40 : i32
    %sign3A_42 = arith.constant 0 : i32
    %sign3A_43 = arith.cmpi sgt, %add3A_39, %sign3A_42 : i32
    %sign3A_44 = arith.extui %sign3A_43 : i1 to i32
    %sign3A_45 = arith.constant 0 : i32
    %sign3A_46 = arith.cmpi slt, %add3A_39, %sign3A_45 : i32
    %sign3A_47 = arith.extui %sign3A_46 : i1 to i32
    %sign3A_48 = arith.subi %sign3A_44, %sign3A_47 : i32
    %sign3A_49 = arith.constant 0 : i32
    %sign3A_50 = arith.cmpi sgt, %jit3A_40, %sign3A_49 : i32
    %sign3A_51 = arith.extui %sign3A_50 : i1 to i32
    %sign3A_52 = arith.constant 0 : i32
    %sign3A_53 = arith.cmpi slt, %jit3A_40, %sign3A_52 : i32
    %sign3A_54 = arith.extui %sign3A_53 : i1 to i32
    %sign3A_55 = arith.subi %sign3A_51, %sign3A_54 : i32
    %ne3A_56 = arith.cmpi ne, %sign3A_48, %sign3A_55 : i32
    %rem3A_57 = arith.remsi %add3A_39, %jit3A_40 : i32
    %ne3A_58 = arith.constant 0 : i32
    %ne3A_59 = arith.cmpi ne, %rem3A_57, %ne3A_58 : i32
    %and3A_60 = arith.andi %ne3A_56, %ne3A_59 : i1
    %sub3A_61 = arith.constant 1 : i32
    %sub3A_62 = arith.subi %div3A_41, %sub3A_61 : i32
    %select_n3A_63 = arith.select %and3A_60, %sub3A_62, %div3A_41 : i32
    %convert_element_type3A = arith.truncf %get3A_9 : vector<768x1152xf32> to vector<768x1152xbf16>
    %convert_element_type3A_64 = arith.truncf %get3A_14 : vector<768x1152xf32> to vector<768x1152xbf16>
    %convert_element_type3A_65 = arith.truncf %get3A_19 : vector<1152x768xf32> to vector<1152x768xbf16>
    %while3A = arith.constant 0 : i32
    %while3A_66 = arith.constant 0 : i32
    %while3A_67 = arith.subi %select_n3A_63, %while3A : i32
    %while3A_68 = arith.addi %while3A, %while3A_67 : i32
    %while3A_69 = arith.constant 1 : i32
    %while3A_70 = arith.divsi %while3A_67, %while3A_69 : i32
    %while3A_71 = arith.muli %while3A_70, %while3A_69 : i32
    %while3A_72 = arith.addi %while3A, %while3A_71 : i32
    %while3A_73 = arith.constant 1 : i32
    %while3A_74 = scf.for %while3A_77 = %while3A to %while3A_72 step %while3A_73 iter_args(%while3A_78 = %while3A_66) -> (i32)  : i32 {
      %mul3A_79 = arith.constant 64 : i32
      %mul3A_80 = arith.muli %while3A_77, %mul3A_79 : i32
      %add3A_81 = arith.addi %mul3A_36, %mul3A_80 : i32
      %multiple_of3A = tpu.assume_multiple %add3A_81, 8 : i32
      %get3A_82 = arith.index_cast %multiple_of3A : i32 to index
      %get3A_83 = arith.constant 0 : index
      %get3A_84 = vector.load %arg4[%get3A_82, %get3A_83] : memref<2112x768xf32, #tpu.memory_space<vmem>>, vector<64x768xf32>
      %convert_element_type3A_85 = arith.truncf %get3A_84 : vector<64x768xf32> to vector<64x768xbf16>
      %dot_general3A = arith.constant dense<0.000000e+00> : vector<64x1152xf32>
      %dot_general3A_86 = tpu.matmul %convert_element_type3A_85, %convert_element_type3A, %dot_general3A {dimension_numbers = #tpu.dot_dimension_numbers<[1], [0], [0], [1], [0, 0, 1, 1], [], []>, transpose_lhs_hint = false} : vector<64x768xbf16>, vector<768x1152xbf16>, vector<64x1152xf32> -> vector<64x1152xf32>
      %dot_general3A_87 = arith.constant dense<0.000000e+00> : vector<64x1152xf32>
      %dot_general3A_88 = tpu.matmul %convert_element_type3A_85, %convert_element_type3A_64, %dot_general3A_87 {dimension_numbers = #tpu.dot_dimension_numbers<[1], [0], [0], [1], [0, 0, 1, 1], [], []>, transpose_lhs_hint = false} : vector<64x768xbf16>, vector<768x1152xbf16>, vector<64x1152xf32> -> vector<64x1152xf32>
      %logistic3A = arith.negf %dot_general3A_86 : vector<64x1152xf32>
      %logistic3A_89 = math.exp %logistic3A : vector<64x1152xf32>
      %logistic3A_90 = arith.constant 1.000000e+00 : f32
      %logistic3A_91 = vector.broadcast %logistic3A_90 : f32 to vector<64x1152xf32>
      %logistic3A_92 = arith.addf %logistic3A_91, %logistic3A_89 : vector<64x1152xf32>
      %logistic3A_93 = arith.divf %logistic3A_91, %logistic3A_92 : vector<64x1152xf32>
      %mul3A_94 = arith.mulf %dot_general3A_86, %logistic3A_93 : vector<64x1152xf32>
      %mul3A_95 = arith.mulf %mul3A_94, %dot_general3A_88 : vector<64x1152xf32>
      %convert_element_type3A_96 = arith.truncf %mul3A_95 : vector<64x1152xf32> to vector<64x1152xbf16>
      %dot_general3A_97 = arith.constant dense<0.000000e+00> : vector<64x768xf32>
      %dot_general3A_98 = tpu.matmul %convert_element_type3A_96, %convert_element_type3A_65, %dot_general3A_97 {dimension_numbers = #tpu.dot_dimension_numbers<[1], [0], [0], [1], [0, 0, 1, 1], [], []>, transpose_lhs_hint = false} : vector<64x1152xbf16>, vector<1152x768xbf16>, vector<64x768xf32> -> vector<64x768xf32>
      %iota3A = tpu.iota {dimensions = array<i32: 0>} : vector<64x1xi32>
      %add3A_99 = vector.broadcast %multiple_of3A : i32 to vector<64x1xi32>
      %add3A_100 = arith.addi %add3A_99, %iota3A : vector<64x1xi32>
      %ge3A = vector.broadcast %get3A_4 : i32 to vector<64x1xi32>
      %ge3A_101 = arith.cmpi sge, %add3A_100, %ge3A : vector<64x1xi32>
      %add3A_102 = arith.addi %get3A_4, %get3A_1 : i32
      %lt3A = vector.broadcast %add3A_102 : i32 to vector<64x1xi32>
      %lt3A_103 = arith.cmpi slt, %add3A_100, %lt3A : vector<64x1xi32>
      %and3A_104 = arith.andi %ge3A_101, %lt3A_103 : vector<64x1xi1>
      %get3A_105 = arith.index_cast %multiple_of3A : i32 to index
      %get3A_106 = arith.constant 0 : index
      %get3A_107 = vector.load %arg8[%get3A_105, %get3A_106] : memref<2112x768xf32, #tpu.memory_space<vmem>>, vector<64x768xf32>
      %eq3A = arith.constant 0 : i32
      %eq3A_108 = arith.cmpi eq, %arg1, %eq3A : i32
      %broadcast_in_dim3A = arith.constant 0.000000e+00 : f32
      %broadcast_in_dim3A_109 = vector.broadcast %broadcast_in_dim3A : f32 to vector<64x768xf32>
      %select_n3A_110 = arith.select %eq3A_108, %broadcast_in_dim3A_109, %get3A_107 : vector<64x768xf32>
      %add3A_111 = arith.addf %dot_general3A_98, %select_n3A_110 : vector<64x768xf32>
      %broadcast_in_dim3A_112 = vector.shape_cast %and3A_104 : vector<64x1xi1> to vector<64x1xi1>
      %broadcast_in_dim3A_113 = vector.broadcast %broadcast_in_dim3A_112 : vector<64x1xi1> to vector<64x768xi1>
      %select_n3A_114 = arith.select %broadcast_in_dim3A_113, %add3A_111, %get3A_107 : vector<64x768xi1>, vector<64x768xf32>
      %swap3A = arith.index_cast %multiple_of3A : i32 to index
      %swap3A_115 = arith.constant 0 : index
      %swap3A_116 = vector.load %arg8[%swap3A, %swap3A_115] : memref<2112x768xf32, #tpu.memory_space<vmem>>, vector<64x768xf32>
      tpu.vector_store %arg8[%swap3A, %swap3A_115], %select_n3A_114 {strides = array<i32>} : memref<2112x768xf32, #tpu.memory_space<vmem>>, vector<64x768xf32>,
      %while3A_117 = arith.constant 0 : i32
      scf.yield %while3A_117 : i32
    }
    %while3A_75 = arith.constant 1 : i32
    %while3A_76 = scf.for %while3A_77 = %while3A_72 to %while3A_68 step %while3A_75 iter_args(%while3A_78 = %while3A_74) -> (i32)  : i32 {
      %mul3A_79 = arith.constant 64 : i32
      %mul3A_80 = arith.muli %while3A_77, %mul3A_79 : i32
      %add3A_81 = arith.addi %mul3A_36, %mul3A_80 : i32
      %multiple_of3A = tpu.assume_multiple %add3A_81, 8 : i32
      %get3A_82 = arith.index_cast %multiple_of3A : i32 to index
      %get3A_83 = arith.constant 0 : index
      %get3A_84 = vector.load %arg4[%get3A_82, %get3A_83] : memref<2112x768xf32, #tpu.memory_space<vmem>>, vector<64x768xf32>
      %convert_element_type3A_85 = arith.truncf %get3A_84 : vector<64x768xf32> to vector<64x768xbf16>
      %dot_general3A = arith.constant dense<0.000000e+00> : vector<64x1152xf32>
      %dot_general3A_86 = tpu.matmul %convert_element_type3A_85, %convert_element_type3A, %dot_general3A {dimension_numbers = #tpu.dot_dimension_numbers<[1], [0], [0], [1], [0, 0, 1, 1], [], []>, transpose_lhs_hint = false} : vector<64x768xbf16>, vector<768x1152xbf16>, vector<64x1152xf32> -> vector<64x1152xf32>
      %dot_general3A_87 = arith.constant dense<0.000000e+00> : vector<64x1152xf32>
      %dot_general3A_88 = tpu.matmul %convert_element_type3A_85, %convert_element_type3A_64, %dot_general3A_87 {dimension_numbers = #tpu.dot_dimension_numbers<[1], [0], [0], [1], [0, 0, 1, 1], [], []>, transpose_lhs_hint = false} : vector<64x768xbf16>, vector<768x1152xbf16>, vector<64x1152xf32> -> vector<64x1152xf32>
      %logistic3A = arith.negf %dot_general3A_86 : vector<64x1152xf32>
      %logistic3A_89 = math.exp %logistic3A : vector<64x1152xf32>
      %logistic3A_90 = arith.constant 1.000000e+00 : f32
      %logistic3A_91 = vector.broadcast %logistic3A_90 : f32 to vector<64x1152xf32>
      %logistic3A_92 = arith.addf %logistic3A_91, %logistic3A_89 : vector<64x1152xf32>
      %logistic3A_93 = arith.divf %logistic3A_91, %logistic3A_92 : vector<64x1152xf32>
      %mul3A_94 = arith.mulf %dot_general3A_86, %logistic3A_93 : vector<64x1152xf32>
      %mul3A_95 = arith.mulf %mul3A_94, %dot_general3A_88 : vector<64x1152xf32>
      %convert_element_type3A_96 = arith.truncf %mul3A_95 : vector<64x1152xf32> to vector<64x1152xbf16>
      %dot_general3A_97 = arith.constant dense<0.000000e+00> : vector<64x768xf32>
      %dot_general3A_98 = tpu.matmul %convert_element_type3A_96, %convert_element_type3A_65, %dot_general3A_97 {dimension_numbers = #tpu.dot_dimension_numbers<[1], [0], [0], [1], [0, 0, 1, 1], [], []>, transpose_lhs_hint = false} : vector<64x1152xbf16>, vector<1152x768xbf16>, vector<64x768xf32> -> vector<64x768xf32>
      %iota3A = tpu.iota {dimensions = array<i32: 0>} : vector<64x1xi32>
      %add3A_99 = vector.broadcast %multiple_of3A : i32 to vector<64x1xi32>
      %add3A_100 = arith.addi %add3A_99, %iota3A : vector<64x1xi32>
      %ge3A = vector.broadcast %get3A_4 : i32 to vector<64x1xi32>
      %ge3A_101 = arith.cmpi sge, %add3A_100, %ge3A : vector<64x1xi32>
      %add3A_102 = arith.addi %get3A_4, %get3A_1 : i32
      %lt3A = vector.broadcast %add3A_102 : i32 to vector<64x1xi32>
      %lt3A_103 = arith.cmpi slt, %add3A_100, %lt3A : vector<64x1xi32>
      %and3A_104 = arith.andi %ge3A_101, %lt3A_103 : vector<64x1xi1>
      %get3A_105 = arith.index_cast %multiple_of3A : i32 to index
      %get3A_106 = arith.constant 0 : index
      %get3A_107 = vector.load %arg8[%get3A_105, %get3A_106] : memref<2112x768xf32, #tpu.memory_space<vmem>>, vector<64x768xf32>
      %eq3A = arith.constant 0 : i32
      %eq3A_108 = arith.cmpi eq, %arg1, %eq3A : i32
      %broadcast_in_dim3A = arith.constant 0.000000e+00 : f32
      %broadcast_in_dim3A_109 = vector.broadcast %broadcast_in_dim3A : f32 to vector<64x768xf32>
      %select_n3A_110 = arith.select %eq3A_108, %broadcast_in_dim3A_109, %get3A_107 : vector<64x768xf32>
      %add3A_111 = arith.addf %dot_general3A_98, %select_n3A_110 : vector<64x768xf32>
      %broadcast_in_dim3A_112 = vector.shape_cast %and3A_104 : vector<64x1xi1> to vector<64x1xi1>
      %broadcast_in_dim3A_113 = vector.broadcast %broadcast_in_dim3A_112 : vector<64x1xi1> to vector<64x768xi1>
      %select_n3A_114 = arith.select %broadcast_in_dim3A_113, %add3A_111, %get3A_107 : vector<64x768xi1>, vector<64x768xf32>
      %swap3A = arith.index_cast %multiple_of3A : i32 to index
      %swap3A_115 = arith.constant 0 : index
      %swap3A_116 = vector.load %arg8[%swap3A, %swap3A_115] : memref<2112x768xf32, #tpu.memory_space<vmem>>, vector<64x768xf32>
      tpu.vector_store %arg8[%swap3A, %swap3A_115], %select_n3A_114 {strides = array<i32>} : memref<2112x768xf32, #tpu.memory_space<vmem>>, vector<64x768xf32>,
      %while3A_117 = arith.constant 0 : i32
      scf.yield %while3A_117 : i32
    }
    return
  }
  func.func @transform_0(%arg0: i32, %arg1: i32) -> (i32, i32) {
    %c0_i32 = arith.constant 0 : i32
    %c0_i32_0 = arith.constant 0 : i32
    %c0_i32_1 = arith.constant 0 : i32
    return %c0_i32, %c0_i32_0 : i32, i32
  }
  func.func @transform_1(%arg0: i32, %arg1: i32) -> (i32, i32) {
    %c0_i32 = arith.constant 0 : i32
    %c0_i32_0 = arith.constant 0 : i32
    %c0_i32_1 = arith.constant 0 : i32
    return %c0_i32, %c0_i32_0 : i32, i32
  }
  func.func @transform_2(%arg0: i32, %arg1: i32) -> (i32, i32) {
    %c0_i32 = arith.constant 0 : i32
    %c0_i32_0 = arith.constant 0 : i32
    %c0_i32_1 = arith.constant 0 : i32
    return %c0_i32, %c0_i32_0 : i32, i32
  }
  func.func @transform_3(%arg0: i32, %arg1: i32) -> (i32, i32, i32) {
    %c0_i32 = arith.constant 0 : i32
    %c0_i32_0 = arith.constant 0 : i32
    return %arg0, %c0_i32, %arg1 : i32, i32, i32
  }
  func.func @transform_4(%arg0: i32, %arg1: i32) -> (i32, i32, i32) {
    %c0_i32 = arith.constant 0 : i32
    %c0_i32_0 = arith.constant 0 : i32
    return %arg0, %c0_i32, %arg1 : i32, i32, i32
  }
  func.func @transform_5(%arg0: i32, %arg1: i32) -> (i32, i32, i32) {
    %c0_i32 = arith.constant 0 : i32
    %c0_i32_0 = arith.constant 0 : i32
    return %arg0, %arg1, %c0_i32 : i32, i32, i32
  }
  func.func @transform_6(%arg0: i32, %arg1: i32) -> (i32, i32) {
    %c0_i32 = arith.constant 0 : i32
    %c0_i32_0 = arith.constant 0 : i32
    %c0_i32_1 = arith.constant 0 : i32
    return %c0_i32, %c0_i32_0 : i32, i32
  }
}

module attributes {stable_mosaic.version = 14 : i64} {
  func.func @_router_body(%arg0: memref<2048x768xf32, #tpu.memory_space<vmem>>, %arg1: memref<768x64xf32, #tpu.memory_space<vmem>>, %arg2: memref<2048x1xi32, #tpu.memory_space<vmem>>, %arg3: memref<1x64xf32, #tpu.memory_space<vmem>>, %arg4: memref<1x1xf32, #tpu.memory_space<vmem>>, %arg5: memref<1x1xf32, #tpu.memory_space<vmem>>, %arg6: memref<1x64xi32, #tpu.memory_space<vmem>>, %arg7: memref<1x64xi32, #tpu.memory_space<vmem>>) attributes {dimension_semantics = [], scalar_prefetch = 0 : i64, scratch_operands = 0 : i64, tpu.core_type = #tpu.core_type<tc>} {
    %get3A = arith.constant 0 : index
    %get3A_0 = arith.constant 0 : index
    %get3A_1 = vector.load %arg0[%get3A, %get3A_0] : memref<2048x768xf32, #tpu.memory_space<vmem>>, vector<2048x768xf32>
    %get3A_2 = arith.constant 0 : index
    %get3A_3 = arith.constant 0 : index
    %get3A_4 = vector.load %arg1[%get3A_2, %get3A_3] : memref<768x64xf32, #tpu.memory_space<vmem>>, vector<768x64xf32>
    %dot_general3A = arith.constant dense<0.000000e+00> : vector<2048x64xf32>
    %dot_general3A_5 = tpu.matmul %get3A_1, %get3A_4, %dot_general3A {dimension_numbers = #tpu.dot_dimension_numbers<[1], [0], [0], [1], [0, 0, 1, 1], [], []>, transpose_lhs_hint = false} : vector<2048x768xf32>, vector<768x64xf32>, vector<2048x64xf32> -> vector<2048x64xf32>
    %reduce_max3A = arith.constant dense<0xFF800000> : vector<2048xf32>
    %reduce_max3A_6 = vector.multi_reduction <maximumf>, %dot_general3A_5, %reduce_max3A [1] : vector<2048x64xf32> to vector<2048xf32>
    %broadcast_in_dim3A = vector.shape_cast %reduce_max3A_6 : vector<2048xf32> to vector<2048x1xf32>
    %sub3A = vector.broadcast %broadcast_in_dim3A : vector<2048x1xf32> to vector<2048x64xf32>
    %sub3A_7 = arith.subf %dot_general3A_5, %sub3A : vector<2048x64xf32>
    %exp3A = math.exp %sub3A_7 : vector<2048x64xf32>
    %reduce_sum3A = arith.constant dense<0.000000e+00> : vector<2048xf32>
    %reduce_sum3A_8 = vector.multi_reduction <add>, %exp3A, %reduce_sum3A [1] : vector<2048x64xf32> to vector<2048xf32>
    %broadcast_in_dim3A_9 = vector.shape_cast %reduce_sum3A_8 : vector<2048xf32> to vector<2048x1xf32>
    %iota3A = tpu.iota {dimensions = array<i32: 1>} : vector<2048x64xi32>
    %eq3A = vector.broadcast %broadcast_in_dim3A : vector<2048x1xf32> to vector<2048x64xf32>
    %eq3A_10 = arith.cmpf oeq, %dot_general3A_5, %eq3A : vector<2048x64xf32>
    %jit3A = arith.constant 64 : i32
    %broadcast_in_dim3A_11 = vector.broadcast %jit3A : i32 to vector<2048x64xi32>
    %select_n3A = arith.select %eq3A_10, %iota3A, %broadcast_in_dim3A_11 : vector<2048x64xi1>, vector<2048x64xi32>
    %reduce_min3A = arith.constant dense<2147483647> : vector<2048xi32>
    %reduce_min3A_12 = vector.multi_reduction <minsi>, %select_n3A, %reduce_min3A [1] : vector<2048x64xi32> to vector<2048xi32>
    %broadcast_in_dim3A_13 = vector.shape_cast %reduce_min3A_12 : vector<2048xi32> to vector<2048x1xi32>
    %eq3A_14 = vector.broadcast %broadcast_in_dim3A_13 : vector<2048x1xi32> to vector<2048x64xi32>
    %eq3A_15 = arith.cmpi eq, %iota3A, %eq3A_14 : vector<2048x64xi32>
    %convert_element_type3A = arith.extui %eq3A_15 : vector<2048x64xi1> to vector<2048x64xi32>
    %convert_element_type3A_16 = arith.sitofp %convert_element_type3A : vector<2048x64xi32> to vector<2048x64xf32>
    %reduce_sum3A_17 = arith.constant dense<0.000000e+00> : vector<64xf32>
    %reduce_sum3A_18 = vector.multi_reduction <add>, %convert_element_type3A_16, %reduce_sum3A_17 [0] : vector<2048x64xf32> to vector<64xf32>
    %broadcast_in_dim3A_19 = vector.shape_cast %reduce_sum3A_18 : vector<64xf32> to vector<1x64xf32>
    %iota3A_20 = tpu.iota {dimensions = array<i32: 0>} : vector<64x64xi32>
    %iota3A_21 = tpu.iota {dimensions = array<i32: 1>} : vector<64x64xi32>
    %lt3A = arith.cmpi slt, %iota3A_20, %iota3A_21 : vector<64x64xi32>
    %convert_element_type3A_22 = arith.extui %lt3A : vector<64x64xi1> to vector<64x64xi32>
    %convert_element_type3A_23 = arith.sitofp %convert_element_type3A_22 : vector<64x64xi32> to vector<64x64xf32>
    %dot_general3A_24 = arith.constant dense<0.000000e+00> : vector<1x64xf32>
    %dot_general3A_25 = tpu.matmul %broadcast_in_dim3A_19, %convert_element_type3A_23, %dot_general3A_24 {dimension_numbers = #tpu.dot_dimension_numbers<[1], [0], [0], [1], [0, 0, 1, 1], [], []>, precision = #tpu.contract_precision<fp32>, transpose_lhs_hint = false} : vector<1x64xf32>, vector<64x64xf32>, vector<1x64xf32> -> vector<1x64xf32>
    %iota3A_26 = tpu.iota {dimensions = array<i32: 0>} : vector<256x256xi32>
    %iota3A_27 = tpu.iota {dimensions = array<i32: 1>} : vector<256x256xi32>
    %lt3A_28 = arith.cmpi slt, %iota3A_27, %iota3A_26 : vector<256x256xi32>
    %convert_element_type3A_29 = arith.extui %lt3A_28 : vector<256x256xi1> to vector<256x256xi32>
    %convert_element_type3A_30 = arith.sitofp %convert_element_type3A_29 : vector<256x256xi32> to vector<256x256xf32>
    %broadcast_in_dim3A_31 = arith.constant 0.000000e+00 : f32
    %broadcast_in_dim3A_32 = vector.broadcast %broadcast_in_dim3A_31 : f32 to vector<1x64xf32>
    %slice3A = vector.extract_strided_slice %convert_element_type3A_16 {offsets = [0, 0], sizes = [256, 64], strides = [1, 1]} : vector<2048x64xf32> to vector<256x64xf32>
    %dot_general3A_33 = arith.constant dense<0.000000e+00> : vector<256x64xf32>
    %dot_general3A_34 = tpu.matmul %convert_element_type3A_30, %slice3A, %dot_general3A_33 {dimension_numbers = #tpu.dot_dimension_numbers<[1], [0], [0], [1], [0, 0, 1, 1], [], []>, precision = #tpu.contract_precision<fp32>, transpose_lhs_hint = false} : vector<256x256xf32>, vector<256x64xf32>, vector<256x64xf32> -> vector<256x64xf32>
    %add3A = vector.broadcast %broadcast_in_dim3A_32 : vector<1x64xf32> to vector<256x64xf32>
    %add3A_35 = arith.addf %dot_general3A_34, %add3A : vector<256x64xf32>
    %add3A_36 = vector.broadcast %dot_general3A_25 : vector<1x64xf32> to vector<256x64xf32>
    %add3A_37 = arith.addf %add3A_35, %add3A_36 : vector<256x64xf32>
    %mul3A = arith.mulf %add3A_37, %slice3A : vector<256x64xf32>
    %reduce_sum3A_38 = arith.constant dense<0.000000e+00> : vector<256xf32>
    %reduce_sum3A_39 = vector.multi_reduction <add>, %mul3A, %reduce_sum3A_38 [1] : vector<256x64xf32> to vector<256xf32>
    %broadcast_in_dim3A_40 = vector.shape_cast %reduce_sum3A_39 : vector<256xf32> to vector<256x1xf32>
    %convert_element_type3A_41 = arith.fptosi %broadcast_in_dim3A_40 : vector<256x1xf32> to vector<256x1xi32>
    %swap3A = arith.constant 0 : index
    %swap3A_42 = arith.constant 0 : index
    %swap3A_43 = vector.load %arg2[%swap3A, %swap3A_42] : memref<2048x1xi32, #tpu.memory_space<vmem>>, vector<256x1xi32>
    tpu.vector_store %arg2[%swap3A, %swap3A_42], %convert_element_type3A_41 {strides = array<i32>} : memref<2048x1xi32, #tpu.memory_space<vmem>>, vector<256x1xi32>,
    %reduce_sum3A_44 = arith.constant dense<0.000000e+00> : vector<64xf32>
    %reduce_sum3A_45 = vector.multi_reduction <add>, %slice3A, %reduce_sum3A_44 [0] : vector<256x64xf32> to vector<64xf32>
    %broadcast_in_dim3A_46 = vector.shape_cast %reduce_sum3A_45 : vector<64xf32> to vector<1x64xf32>
    %add3A_47 = arith.addf %broadcast_in_dim3A_32, %broadcast_in_dim3A_46 : vector<1x64xf32>
    %slice3A_48 = vector.extract_strided_slice %convert_element_type3A_16 {offsets = [256, 0], sizes = [256, 64], strides = [1, 1]} : vector<2048x64xf32> to vector<256x64xf32>
    %dot_general3A_49 = arith.constant dense<0.000000e+00> : vector<256x64xf32>
    %dot_general3A_50 = tpu.matmul %convert_element_type3A_30, %slice3A_48, %dot_general3A_49 {dimension_numbers = #tpu.dot_dimension_numbers<[1], [0], [0], [1], [0, 0, 1, 1], [], []>, precision = #tpu.contract_precision<fp32>, transpose_lhs_hint = false} : vector<256x256xf32>, vector<256x64xf32>, vector<256x64xf32> -> vector<256x64xf32>
    %add3A_51 = vector.broadcast %add3A_47 : vector<1x64xf32> to vector<256x64xf32>
    %add3A_52 = arith.addf %dot_general3A_50, %add3A_51 : vector<256x64xf32>
    %add3A_53 = vector.broadcast %dot_general3A_25 : vector<1x64xf32> to vector<256x64xf32>
    %add3A_54 = arith.addf %add3A_52, %add3A_53 : vector<256x64xf32>
    %mul3A_55 = arith.mulf %add3A_54, %slice3A_48 : vector<256x64xf32>
    %reduce_sum3A_56 = arith.constant dense<0.000000e+00> : vector<256xf32>
    %reduce_sum3A_57 = vector.multi_reduction <add>, %mul3A_55, %reduce_sum3A_56 [1] : vector<256x64xf32> to vector<256xf32>
    %broadcast_in_dim3A_58 = vector.shape_cast %reduce_sum3A_57 : vector<256xf32> to vector<256x1xf32>
    %convert_element_type3A_59 = arith.fptosi %broadcast_in_dim3A_58 : vector<256x1xf32> to vector<256x1xi32>
    %swap3A_60 = arith.constant 256 : index
    %swap3A_61 = arith.constant 0 : index
    %swap3A_62 = vector.load %arg2[%swap3A_60, %swap3A_61] : memref<2048x1xi32, #tpu.memory_space<vmem>>, vector<256x1xi32>
    tpu.vector_store %arg2[%swap3A_60, %swap3A_61], %convert_element_type3A_59 {strides = array<i32>} : memref<2048x1xi32, #tpu.memory_space<vmem>>, vector<256x1xi32>,
    %reduce_sum3A_63 = arith.constant dense<0.000000e+00> : vector<64xf32>
    %reduce_sum3A_64 = vector.multi_reduction <add>, %slice3A_48, %reduce_sum3A_63 [0] : vector<256x64xf32> to vector<64xf32>
    %broadcast_in_dim3A_65 = vector.shape_cast %reduce_sum3A_64 : vector<64xf32> to vector<1x64xf32>
    %add3A_66 = arith.addf %add3A_47, %broadcast_in_dim3A_65 : vector<1x64xf32>
    %slice3A_67 = vector.extract_strided_slice %convert_element_type3A_16 {offsets = [512, 0], sizes = [256, 64], strides = [1, 1]} : vector<2048x64xf32> to vector<256x64xf32>
    %dot_general3A_68 = arith.constant dense<0.000000e+00> : vector<256x64xf32>
    %dot_general3A_69 = tpu.matmul %convert_element_type3A_30, %slice3A_67, %dot_general3A_68 {dimension_numbers = #tpu.dot_dimension_numbers<[1], [0], [0], [1], [0, 0, 1, 1], [], []>, precision = #tpu.contract_precision<fp32>, transpose_lhs_hint = false} : vector<256x256xf32>, vector<256x64xf32>, vector<256x64xf32> -> vector<256x64xf32>
    %add3A_70 = vector.broadcast %add3A_66 : vector<1x64xf32> to vector<256x64xf32>
    %add3A_71 = arith.addf %dot_general3A_69, %add3A_70 : vector<256x64xf32>
    %add3A_72 = vector.broadcast %dot_general3A_25 : vector<1x64xf32> to vector<256x64xf32>
    %add3A_73 = arith.addf %add3A_71, %add3A_72 : vector<256x64xf32>
    %mul3A_74 = arith.mulf %add3A_73, %slice3A_67 : vector<256x64xf32>
    %reduce_sum3A_75 = arith.constant dense<0.000000e+00> : vector<256xf32>
    %reduce_sum3A_76 = vector.multi_reduction <add>, %mul3A_74, %reduce_sum3A_75 [1] : vector<256x64xf32> to vector<256xf32>
    %broadcast_in_dim3A_77 = vector.shape_cast %reduce_sum3A_76 : vector<256xf32> to vector<256x1xf32>
    %convert_element_type3A_78 = arith.fptosi %broadcast_in_dim3A_77 : vector<256x1xf32> to vector<256x1xi32>
    %swap3A_79 = arith.constant 512 : index
    %swap3A_80 = arith.constant 0 : index
    %swap3A_81 = vector.load %arg2[%swap3A_79, %swap3A_80] : memref<2048x1xi32, #tpu.memory_space<vmem>>, vector<256x1xi32>
    tpu.vector_store %arg2[%swap3A_79, %swap3A_80], %convert_element_type3A_78 {strides = array<i32>} : memref<2048x1xi32, #tpu.memory_space<vmem>>, vector<256x1xi32>,
    %reduce_sum3A_82 = arith.constant dense<0.000000e+00> : vector<64xf32>
    %reduce_sum3A_83 = vector.multi_reduction <add>, %slice3A_67, %reduce_sum3A_82 [0] : vector<256x64xf32> to vector<64xf32>
    %broadcast_in_dim3A_84 = vector.shape_cast %reduce_sum3A_83 : vector<64xf32> to vector<1x64xf32>
    %add3A_85 = arith.addf %add3A_66, %broadcast_in_dim3A_84 : vector<1x64xf32>
    %slice3A_86 = vector.extract_strided_slice %convert_element_type3A_16 {offsets = [768, 0], sizes = [256, 64], strides = [1, 1]} : vector<2048x64xf32> to vector<256x64xf32>
    %dot_general3A_87 = arith.constant dense<0.000000e+00> : vector<256x64xf32>
    %dot_general3A_88 = tpu.matmul %convert_element_type3A_30, %slice3A_86, %dot_general3A_87 {dimension_numbers = #tpu.dot_dimension_numbers<[1], [0], [0], [1], [0, 0, 1, 1], [], []>, precision = #tpu.contract_precision<fp32>, transpose_lhs_hint = false} : vector<256x256xf32>, vector<256x64xf32>, vector<256x64xf32> -> vector<256x64xf32>
    %add3A_89 = vector.broadcast %add3A_85 : vector<1x64xf32> to vector<256x64xf32>
    %add3A_90 = arith.addf %dot_general3A_88, %add3A_89 : vector<256x64xf32>
    %add3A_91 = vector.broadcast %dot_general3A_25 : vector<1x64xf32> to vector<256x64xf32>
    %add3A_92 = arith.addf %add3A_90, %add3A_91 : vector<256x64xf32>
    %mul3A_93 = arith.mulf %add3A_92, %slice3A_86 : vector<256x64xf32>
    %reduce_sum3A_94 = arith.constant dense<0.000000e+00> : vector<256xf32>
    %reduce_sum3A_95 = vector.multi_reduction <add>, %mul3A_93, %reduce_sum3A_94 [1] : vector<256x64xf32> to vector<256xf32>
    %broadcast_in_dim3A_96 = vector.shape_cast %reduce_sum3A_95 : vector<256xf32> to vector<256x1xf32>
    %convert_element_type3A_97 = arith.fptosi %broadcast_in_dim3A_96 : vector<256x1xf32> to vector<256x1xi32>
    %swap3A_98 = arith.constant 768 : index
    %swap3A_99 = arith.constant 0 : index
    %swap3A_100 = vector.load %arg2[%swap3A_98, %swap3A_99] : memref<2048x1xi32, #tpu.memory_space<vmem>>, vector<256x1xi32>
    tpu.vector_store %arg2[%swap3A_98, %swap3A_99], %convert_element_type3A_97 {strides = array<i32>} : memref<2048x1xi32, #tpu.memory_space<vmem>>, vector<256x1xi32>,
    %reduce_sum3A_101 = arith.constant dense<0.000000e+00> : vector<64xf32>
    %reduce_sum3A_102 = vector.multi_reduction <add>, %slice3A_86, %reduce_sum3A_101 [0] : vector<256x64xf32> to vector<64xf32>
    %broadcast_in_dim3A_103 = vector.shape_cast %reduce_sum3A_102 : vector<64xf32> to vector<1x64xf32>
    %add3A_104 = arith.addf %add3A_85, %broadcast_in_dim3A_103 : vector<1x64xf32>
    %slice3A_105 = vector.extract_strided_slice %convert_element_type3A_16 {offsets = [1024, 0], sizes = [256, 64], strides = [1, 1]} : vector<2048x64xf32> to vector<256x64xf32>
    %dot_general3A_106 = arith.constant dense<0.000000e+00> : vector<256x64xf32>
    %dot_general3A_107 = tpu.matmul %convert_element_type3A_30, %slice3A_105, %dot_general3A_106 {dimension_numbers = #tpu.dot_dimension_numbers<[1], [0], [0], [1], [0, 0, 1, 1], [], []>, precision = #tpu.contract_precision<fp32>, transpose_lhs_hint = false} : vector<256x256xf32>, vector<256x64xf32>, vector<256x64xf32> -> vector<256x64xf32>
    %add3A_108 = vector.broadcast %add3A_104 : vector<1x64xf32> to vector<256x64xf32>
    %add3A_109 = arith.addf %dot_general3A_107, %add3A_108 : vector<256x64xf32>
    %add3A_110 = vector.broadcast %dot_general3A_25 : vector<1x64xf32> to vector<256x64xf32>
    %add3A_111 = arith.addf %add3A_109, %add3A_110 : vector<256x64xf32>
    %mul3A_112 = arith.mulf %add3A_111, %slice3A_105 : vector<256x64xf32>
    %reduce_sum3A_113 = arith.constant dense<0.000000e+00> : vector<256xf32>
    %reduce_sum3A_114 = vector.multi_reduction <add>, %mul3A_112, %reduce_sum3A_113 [1] : vector<256x64xf32> to vector<256xf32>
    %broadcast_in_dim3A_115 = vector.shape_cast %reduce_sum3A_114 : vector<256xf32> to vector<256x1xf32>
    %convert_element_type3A_116 = arith.fptosi %broadcast_in_dim3A_115 : vector<256x1xf32> to vector<256x1xi32>
    %swap3A_117 = arith.constant 1024 : index
    %swap3A_118 = arith.constant 0 : index
    %swap3A_119 = vector.load %arg2[%swap3A_117, %swap3A_118] : memref<2048x1xi32, #tpu.memory_space<vmem>>, vector<256x1xi32>
    tpu.vector_store %arg2[%swap3A_117, %swap3A_118], %convert_element_type3A_116 {strides = array<i32>} : memref<2048x1xi32, #tpu.memory_space<vmem>>, vector<256x1xi32>,
    %reduce_sum3A_120 = arith.constant dense<0.000000e+00> : vector<64xf32>
    %reduce_sum3A_121 = vector.multi_reduction <add>, %slice3A_105, %reduce_sum3A_120 [0] : vector<256x64xf32> to vector<64xf32>
    %broadcast_in_dim3A_122 = vector.shape_cast %reduce_sum3A_121 : vector<64xf32> to vector<1x64xf32>
    %add3A_123 = arith.addf %add3A_104, %broadcast_in_dim3A_122 : vector<1x64xf32>
    %slice3A_124 = vector.extract_strided_slice %convert_element_type3A_16 {offsets = [1280, 0], sizes = [256, 64], strides = [1, 1]} : vector<2048x64xf32> to vector<256x64xf32>
    %dot_general3A_125 = arith.constant dense<0.000000e+00> : vector<256x64xf32>
    %dot_general3A_126 = tpu.matmul %convert_element_type3A_30, %slice3A_124, %dot_general3A_125 {dimension_numbers = #tpu.dot_dimension_numbers<[1], [0], [0], [1], [0, 0, 1, 1], [], []>, precision = #tpu.contract_precision<fp32>, transpose_lhs_hint = false} : vector<256x256xf32>, vector<256x64xf32>, vector<256x64xf32> -> vector<256x64xf32>
    %add3A_127 = vector.broadcast %add3A_123 : vector<1x64xf32> to vector<256x64xf32>
    %add3A_128 = arith.addf %dot_general3A_126, %add3A_127 : vector<256x64xf32>
    %add3A_129 = vector.broadcast %dot_general3A_25 : vector<1x64xf32> to vector<256x64xf32>
    %add3A_130 = arith.addf %add3A_128, %add3A_129 : vector<256x64xf32>
    %mul3A_131 = arith.mulf %add3A_130, %slice3A_124 : vector<256x64xf32>
    %reduce_sum3A_132 = arith.constant dense<0.000000e+00> : vector<256xf32>
    %reduce_sum3A_133 = vector.multi_reduction <add>, %mul3A_131, %reduce_sum3A_132 [1] : vector<256x64xf32> to vector<256xf32>
    %broadcast_in_dim3A_134 = vector.shape_cast %reduce_sum3A_133 : vector<256xf32> to vector<256x1xf32>
    %convert_element_type3A_135 = arith.fptosi %broadcast_in_dim3A_134 : vector<256x1xf32> to vector<256x1xi32>
    %swap3A_136 = arith.constant 1280 : index
    %swap3A_137 = arith.constant 0 : index
    %swap3A_138 = vector.load %arg2[%swap3A_136, %swap3A_137] : memref<2048x1xi32, #tpu.memory_space<vmem>>, vector<256x1xi32>
    tpu.vector_store %arg2[%swap3A_136, %swap3A_137], %convert_element_type3A_135 {strides = array<i32>} : memref<2048x1xi32, #tpu.memory_space<vmem>>, vector<256x1xi32>,
    %reduce_sum3A_139 = arith.constant dense<0.000000e+00> : vector<64xf32>
    %reduce_sum3A_140 = vector.multi_reduction <add>, %slice3A_124, %reduce_sum3A_139 [0] : vector<256x64xf32> to vector<64xf32>
    %broadcast_in_dim3A_141 = vector.shape_cast %reduce_sum3A_140 : vector<64xf32> to vector<1x64xf32>
    %add3A_142 = arith.addf %add3A_123, %broadcast_in_dim3A_141 : vector<1x64xf32>
    %slice3A_143 = vector.extract_strided_slice %convert_element_type3A_16 {offsets = [1536, 0], sizes = [256, 64], strides = [1, 1]} : vector<2048x64xf32> to vector<256x64xf32>
    %dot_general3A_144 = arith.constant dense<0.000000e+00> : vector<256x64xf32>
    %dot_general3A_145 = tpu.matmul %convert_element_type3A_30, %slice3A_143, %dot_general3A_144 {dimension_numbers = #tpu.dot_dimension_numbers<[1], [0], [0], [1], [0, 0, 1, 1], [], []>, precision = #tpu.contract_precision<fp32>, transpose_lhs_hint = false} : vector<256x256xf32>, vector<256x64xf32>, vector<256x64xf32> -> vector<256x64xf32>
    %add3A_146 = vector.broadcast %add3A_142 : vector<1x64xf32> to vector<256x64xf32>
    %add3A_147 = arith.addf %dot_general3A_145, %add3A_146 : vector<256x64xf32>
    %add3A_148 = vector.broadcast %dot_general3A_25 : vector<1x64xf32> to vector<256x64xf32>
    %add3A_149 = arith.addf %add3A_147, %add3A_148 : vector<256x64xf32>
    %mul3A_150 = arith.mulf %add3A_149, %slice3A_143 : vector<256x64xf32>
    %reduce_sum3A_151 = arith.constant dense<0.000000e+00> : vector<256xf32>
    %reduce_sum3A_152 = vector.multi_reduction <add>, %mul3A_150, %reduce_sum3A_151 [1] : vector<256x64xf32> to vector<256xf32>
    %broadcast_in_dim3A_153 = vector.shape_cast %reduce_sum3A_152 : vector<256xf32> to vector<256x1xf32>
    %convert_element_type3A_154 = arith.fptosi %broadcast_in_dim3A_153 : vector<256x1xf32> to vector<256x1xi32>
    %swap3A_155 = arith.constant 1536 : index
    %swap3A_156 = arith.constant 0 : index
    %swap3A_157 = vector.load %arg2[%swap3A_155, %swap3A_156] : memref<2048x1xi32, #tpu.memory_space<vmem>>, vector<256x1xi32>
    tpu.vector_store %arg2[%swap3A_155, %swap3A_156], %convert_element_type3A_154 {strides = array<i32>} : memref<2048x1xi32, #tpu.memory_space<vmem>>, vector<256x1xi32>,
    %reduce_sum3A_158 = arith.constant dense<0.000000e+00> : vector<64xf32>
    %reduce_sum3A_159 = vector.multi_reduction <add>, %slice3A_143, %reduce_sum3A_158 [0] : vector<256x64xf32> to vector<64xf32>
    %broadcast_in_dim3A_160 = vector.shape_cast %reduce_sum3A_159 : vector<64xf32> to vector<1x64xf32>
    %add3A_161 = arith.addf %add3A_142, %broadcast_in_dim3A_160 : vector<1x64xf32>
    %slice3A_162 = vector.extract_strided_slice %convert_element_type3A_16 {offsets = [1792, 0], sizes = [256, 64], strides = [1, 1]} : vector<2048x64xf32> to vector<256x64xf32>
    %dot_general3A_163 = arith.constant dense<0.000000e+00> : vector<256x64xf32>
    %dot_general3A_164 = tpu.matmul %convert_element_type3A_30, %slice3A_162, %dot_general3A_163 {dimension_numbers = #tpu.dot_dimension_numbers<[1], [0], [0], [1], [0, 0, 1, 1], [], []>, precision = #tpu.contract_precision<fp32>, transpose_lhs_hint = false} : vector<256x256xf32>, vector<256x64xf32>, vector<256x64xf32> -> vector<256x64xf32>
    %add3A_165 = vector.broadcast %add3A_161 : vector<1x64xf32> to vector<256x64xf32>
    %add3A_166 = arith.addf %dot_general3A_164, %add3A_165 : vector<256x64xf32>
    %add3A_167 = vector.broadcast %dot_general3A_25 : vector<1x64xf32> to vector<256x64xf32>
    %add3A_168 = arith.addf %add3A_166, %add3A_167 : vector<256x64xf32>
    %mul3A_169 = arith.mulf %add3A_168, %slice3A_162 : vector<256x64xf32>
    %reduce_sum3A_170 = arith.constant dense<0.000000e+00> : vector<256xf32>
    %reduce_sum3A_171 = vector.multi_reduction <add>, %mul3A_169, %reduce_sum3A_170 [1] : vector<256x64xf32> to vector<256xf32>
    %broadcast_in_dim3A_172 = vector.shape_cast %reduce_sum3A_171 : vector<256xf32> to vector<256x1xf32>
    %convert_element_type3A_173 = arith.fptosi %broadcast_in_dim3A_172 : vector<256x1xf32> to vector<256x1xi32>
    %swap3A_174 = arith.constant 1792 : index
    %swap3A_175 = arith.constant 0 : index
    %swap3A_176 = vector.load %arg2[%swap3A_174, %swap3A_175] : memref<2048x1xi32, #tpu.memory_space<vmem>>, vector<256x1xi32>
    tpu.vector_store %arg2[%swap3A_174, %swap3A_175], %convert_element_type3A_173 {strides = array<i32>} : memref<2048x1xi32, #tpu.memory_space<vmem>>, vector<256x1xi32>,
    %div3A = arith.constant 2.048000e+03 : f32
    %div3A_177 = vector.broadcast %div3A : f32 to vector<1x64xf32>
    %div3A_178 = arith.divf %broadcast_in_dim3A_19, %div3A_177 : vector<1x64xf32>
    %div3A_179 = vector.broadcast %broadcast_in_dim3A_9 : vector<2048x1xf32> to vector<2048x64xf32>
    %div3A_180 = arith.divf %exp3A, %div3A_179 : vector<2048x64xf32>
    %reduce_sum3A_181 = arith.constant dense<0.000000e+00> : vector<64xf32>
    %reduce_sum3A_182 = vector.multi_reduction <add>, %div3A_180, %reduce_sum3A_181 [0] : vector<2048x64xf32> to vector<64xf32>
    %broadcast_in_dim3A_183 = vector.shape_cast %reduce_sum3A_182 : vector<64xf32> to vector<1x64xf32>
    %div3A_184 = arith.constant 2.048000e+03 : f32
    %div3A_185 = vector.broadcast %div3A_184 : f32 to vector<1x64xf32>
    %div3A_186 = arith.divf %broadcast_in_dim3A_183, %div3A_185 : vector<1x64xf32>
    %mul3A_187 = arith.constant 6.400000e+01 : f32
    %mul3A_188 = vector.broadcast %mul3A_187 : f32 to vector<1x64xf32>
    %mul3A_189 = arith.mulf %div3A_178, %mul3A_188 : vector<1x64xf32>
    %mul3A_190 = arith.mulf %mul3A_189, %div3A_186 : vector<1x64xf32>
    %reduce_sum3A_191 = vector.shape_cast %mul3A_190 : vector<1x64xf32> to vector<1x1x64xf32>
    %reduce_sum3A_192 = arith.constant dense<0.000000e+00> : vector<1xf32>
    %reduce_sum3A_193 = vector.multi_reduction <add>, %reduce_sum3A_191, %reduce_sum3A_192 [1, 2] : vector<1x1x64xf32> to vector<1xf32>
    %reduce_sum3A_194 = vector.shape_cast %reduce_sum3A_193 : vector<1xf32> to vector<1x1x1xf32>
    %reduce_sum3A_195 = vector.extract %reduce_sum3A_194[0, 0, 0] : f32 from vector<1x1x1xf32>
    %mul3A_196 = arith.constant 0.00999999977 : f32
    %mul3A_197 = arith.mulf %mul3A_196, %reduce_sum3A_195 : f32
    %log3A = math.log %broadcast_in_dim3A_9 : vector<2048x1xf32>
    %add3A_198 = arith.addf %broadcast_in_dim3A, %log3A : vector<2048x1xf32>
    %mul3A_199 = arith.mulf %add3A_198, %add3A_198 : vector<2048x1xf32>
    %reduce_sum3A_200 = vector.shape_cast %mul3A_199 : vector<2048x1xf32> to vector<1x2048x1xf32>
    %reduce_sum3A_201 = arith.constant dense<0.000000e+00> : vector<1xf32>
    %reduce_sum3A_202 = vector.multi_reduction <add>, %reduce_sum3A_200, %reduce_sum3A_201 [1, 2] : vector<1x2048x1xf32> to vector<1xf32>
    %reduce_sum3A_203 = vector.shape_cast %reduce_sum3A_202 : vector<1xf32> to vector<1x1x1xf32>
    %reduce_sum3A_204 = vector.extract %reduce_sum3A_203[0, 0, 0] : f32 from vector<1x1x1xf32>
    %mul3A_205 = arith.constant 1.000000e-03 : f32
    %mul3A_206 = arith.mulf %mul3A_205, %reduce_sum3A_204 : f32
    %div3A_207 = arith.constant 2.048000e+03 : f32
    %div3A_208 = arith.divf %mul3A_206, %div3A_207 : f32
    %swap3A_209 = arith.constant 0 : index
    %swap3A_210 = arith.constant 0 : index
    %swap3A_211 = vector.load %arg3[%swap3A_209, %swap3A_210] : memref<1x64xf32, #tpu.memory_space<vmem>>, vector<1x64xf32>
    tpu.vector_store %arg3[%swap3A_209, %swap3A_210], %div3A_178 {strides = array<i32>} : memref<1x64xf32, #tpu.memory_space<vmem>>, vector<1x64xf32>,
    %reshape3A = vector.broadcast %mul3A_197 : f32 to vector<1x1xf32>
    %swap3A_212 = arith.constant 0 : index
    %swap3A_213 = arith.constant 0 : index
    %swap3A_214 = vector.load %arg4[%swap3A_212, %swap3A_213] : memref<1x1xf32, #tpu.memory_space<vmem>>, vector<1x1xf32>
    tpu.vector_store %arg4[%swap3A_212, %swap3A_213], %reshape3A {strides = array<i32>} : memref<1x1xf32, #tpu.memory_space<vmem>>, vector<1x1xf32>,
    %reshape3A_215 = vector.broadcast %div3A_208 : f32 to vector<1x1xf32>
    %swap3A_216 = arith.constant 0 : index
    %swap3A_217 = arith.constant 0 : index
    %swap3A_218 = vector.load %arg5[%swap3A_216, %swap3A_217] : memref<1x1xf32, #tpu.memory_space<vmem>>, vector<1x1xf32>
    tpu.vector_store %arg5[%swap3A_216, %swap3A_217], %reshape3A_215 {strides = array<i32>} : memref<1x1xf32, #tpu.memory_space<vmem>>, vector<1x1xf32>,
    %convert_element_type3A_219 = arith.fptosi %broadcast_in_dim3A_19 : vector<1x64xf32> to vector<1x64xi32>
    %swap3A_220 = arith.constant 0 : index
    %swap3A_221 = arith.constant 0 : index
    %swap3A_222 = vector.load %arg6[%swap3A_220, %swap3A_221] : memref<1x64xi32, #tpu.memory_space<vmem>>, vector<1x64xi32>
    tpu.vector_store %arg6[%swap3A_220, %swap3A_221], %convert_element_type3A_219 {strides = array<i32>} : memref<1x64xi32, #tpu.memory_space<vmem>>, vector<1x64xi32>,
    %convert_element_type3A_223 = arith.fptosi %dot_general3A_25 : vector<1x64xf32> to vector<1x64xi32>
    %swap3A_224 = arith.constant 0 : index
    %swap3A_225 = arith.constant 0 : index
    %swap3A_226 = vector.load %arg7[%swap3A_224, %swap3A_225] : memref<1x64xi32, #tpu.memory_space<vmem>>, vector<1x64xi32>
    tpu.vector_store %arg7[%swap3A_224, %swap3A_225], %convert_element_type3A_223 {strides = array<i32>} : memref<1x64xi32, #tpu.memory_space<vmem>>, vector<1x64xi32>,
    return
  }
}

</mosaic_0001>

<sc_bundles>
// kernel: kernel.6.cloned.1.call-start
scs
__scs_entry_jumppad:
0x0: {  	(pc) =	sbr.rel $0x88, $3  }
0x1: {  	(tag) =	ssettag $0x0;
	lr =	simm.s32 $0x1  }
0x2: {  	[smem:$0x3F9C] =	sst lr;
	_ =	strace $0xD0000000  }
0x3: {  	_ = 	snop  }
0x4: {  	_ = 	snop  }
0x5: {  	_ = 	snop  }
0x6: {  	_ = 	snop  }
0x7: {  	_ = 	snop  }
__scs_overlays_trampoline_lowered:
0x8: {  	[smem:$0x3FAB] =	sst s0  }
0x9: {  	[smem:$0x3FAC] =	sst s1  }
0xa: {  	[smem:$0x3FAD] =	sst s2  }
0xb: {  	[smem:$0x3FAE] =	sst s3  }
0xc: {  	[smem:$0x3FAF] =	sst s4  }
0xd: {  	[smem:$0x3FB0] =	sst s5  }
0xe: {  	[smem:$0x3FB1] =	sst s6  }
0xf: {  	[smem:$0x3FB2] =	sst s7  }
0x10: {  	[smem:$0x3FB3] =	sst s8  }
0x11: {  	[smem:$0x3FB4] =	sst s9;
	s0 =	simm.s32 @!p0 $0x0  }
0x12: {  	s1 =	sld [smem:$0x3F9A];
	s0 =	simm.s32 @p0 $0x1  }
0x13: {  	[smem:$0x3FB5] =	sst s0;
	s0 =	simm.s32 @!p1 $0x0  }
0x14: {  	s2 =	sld [smem:$0x3F99];
	s0 =	simm.s32 @p1 $0x1  }
0x15: {  	[smem:$0x3FB6] =	sst s0;
	s0 =	simm.s32 @!p2 $0x0  }
0x16: {  	s3 =	sld [smem:$0x3FDB];
	s0 =	simm.s32 @p2 $0x1  }
0x17: {  	s4 =	simm.s32 $0x1BF5;
	[smem:$0x3FB8] =	sst s0  }
0x18: {  	s0 =	sld [smem:$0x3F9B];
	_ =	swait.ge [sflag:s4], $0x0  }
0x19: {  	s7 =	sld [smem:$0x3F9C]  }
0x1a: {  	s8 =	sadd.s32 $0xFFFFE003, lr  }
0x1b: {  	s9 =	sadd.s32 $0xFFFFFEF7, lr;
	s5 =	simm.s32 $0xFFFFFFFF;
	p2 =	slt.u32 s8, $0xFFFFF086  }
0x1c: {  	p1 =	slt.u32 s9, $0xF7A;
	s5 =	simm.s32 @!p2 $0x0  }
0x1d: {  	s5 =	simm.s32 @p1 $0x1;
	p0 =	seq.s32 s7, s2  }
0x1e: {  	s7 =	smul.u32 @!p0 $0xF7A, s2;
	p2 =	seq.s32 @!p0 s5, $0x0  }
0x1f: {  	s9 =	smul.u32 $0xF7A, s1;
	s8 =	simm.s32 @!p0 $0x1BF5;
	p2 =	por !p2, p0  }
0x20: {  	[sflag:s8] =	ssyncset.s32 @!p0 $0xFFFFF086;
	s6 =	sadd.s32 @!p0 s3, s7;
	s7 =	simm.s32 @!p0 $0x108  }
0x21: {  	s3 =	sadd.s32 s3, s9;
	s6 =	sadd.s32 @!p0 $0x88, s6;
	s7 =	simm.s32 @p2 $0x1082  }
0x22: {  	[simem:s7], [sflag:s8] =	dma.local @!p0 [hbm:s6], $0xF7A  }
0x23: {  	s9 =	sor.u32 $0xD0000000, s2;
	s6 =	simm.s32 $0x108;
	_ =	swait.ge @!p0 [sflag:s8], $0x0  }
0x24: {  	s3 =	sadd.s32 $0x88, s3;
	s6 =	simm.s32 @!p1 $0x1082;
	[sflag:s4] =	ssyncset.s32 $0xFFFFF086  }
0x25: {  	[simem:s6], [sflag:s4] =	dma.local [hbm:s3], $0xF7A  }
0x26: {  	[smem:$0x3F9C] =	sst s1;
	(tag) =	ssettag s2;
	_ =	strace s9  }
0x27: {  	s1 =	sld [smem:$0x3FAC]  }
0x28: {  	s2 =	sld [smem:$0x3FAD]  }
0x29: {  	s4 =	sld [smem:$0x3FAF]  }
0x2a: {  	p0 =	seq.s32 s5, $0x0;
	s5 =	sld [smem:$0x3FB0]  }
0x2b: {  	s6 =	sld [smem:$0x3FB1]  }
0x2c: {  	s7 =	sld [smem:$0x3FB2]  }
0x2d: {  	s3 =	simm.s32 $0x108;
	s8 =	sld [smem:$0x3FB3]  }
0x2e: {  	s3 =	simm.s32 @!p0 $0x1082;
	s9 =	sld [smem:$0x3FB4]  }
0x2f: {  	lr =	sadd.s32 s0, s3;
	s0 =	sld [smem:$0x3FAB]  }
0x30: {  	s3 =	sld [smem:$0x3FAE]  }
0x31: {  	[smem:$0x3FB7] =	sst s10  }
0x32: {  	s10 =	sld [smem:$0x3FB5];
	_ =	sdelay $0x3  }
0x33: {  	p0 =	seq.s32 s10, $0x1;
	s10 =	sld [smem:$0x3FB7];
	_ =	sdelay $0x3  }
0x34: {  	[smem:$0x3FB7] =	sst s10  }
0x35: {  	s10 =	sld [smem:$0x3FB6];
	_ =	sdelay $0x3  }
0x36: {  	p1 =	seq.s32 s10, $0x1;
	s10 =	sld [smem:$0x3FB7];
	_ =	sdelay $0x3  }
0x37: {  	[smem:$0x3FB7] =	sst s10  }
0x38: {  	s10 =	sld [smem:$0x3FB8]  }
0x39: {  	_ = 	snop;
	(pc) =	sbr.ind lr, $3  }
0x3a: {  	_ = 	snop  }
0x3b: {  	_ = 	snop  }
0x3c: {  	p2 =	seq.s32 s10, $0x1;
	s10 =	sld [smem:$0x3FB7]  }
0x3d: {  	_ =	shalt  }
0x3e: {  	_ =	shalt  }
0x3f: {  	_ =	shalt  }
0x40: {  	_ =	shalt  }
0x41: {  	_ =	shalt  }
0x42: {  	_ =	shalt  }
0x43: {  	_ =	shalt  }
0x44: {  	_ =	shalt  }
0x45: {  	_ =	shalt  }
0x46: {  	_ =	shalt  }
0x47: {  	_ =	shalt  }
0x48: {  	_ =	shalt  }
0x49: {  	_ =	shalt  }
0x4a: {  	_ =	shalt  }
0x4b: {  	_ =	shalt  }
0x4c: {  	_ =	shalt  }
0x4d: {  	_ =	shalt  }
0x4e: {  	_ =	shalt  }
0x4f: {  	_ =	shalt  }
0x50: {  	_ =	shalt  }
0x51: {  	_ =	shalt  }
0x52: {  	_ =	shalt  }
0x53: {  	_ =	shalt  }
0x54: {  	_ =	shalt  }
0x55: {  	_ =	shalt  }
0x56: {  	_ =	shalt  }
0x57: {  	_ =	shalt  }
0x58: {  	_ =	shalt  }
0x59: {  	_ =	shalt  }
0x5a: {  	_ =	shalt  }
0x5b: {  	_ =	shalt  }
0x5c: {  	_ =	shalt  }
0x5d: {  	_ =	shalt  }
0x5e: {  	_ =	shalt  }
0x5f: {  	_ =	shalt  }
0x60: {  	_ =	shalt  }
0x61: {  	_ =	shalt  }
0x62: {  	_ =	shalt  }
0x63: {  	_ =	shalt  }
0x64: {  	_ =	shalt  }
0x65: {  	_ =	shalt  }
0x66: {  	_ =	shalt  }
0x67: {  	_ =	shalt  }
0x68: {  	_ =	shalt  }
0x69: {  	_ =	shalt  }
0x6a: {  	_ =	shalt  }
0x6b: {  	_ =	shalt  }
0x6c: {  	_ =	shalt  }
0x6d: {  	_ =	shalt  }
0x6e: {  	_ =	shalt  }
0x6f: {  	_ =	shalt  }
0x70: {  	_ =	shalt  }
0x71: {  	_ =	shalt  }
0x72: {  	_ =	shalt  }
0x73: {  	_ =	shalt  }
0x74: {  	_ =	shalt  }
0x75: {  	_ =	shalt  }
0x76: {  	_ =	shalt  }
0x77: {  	_ =	shalt  }
0x78: {  	_ =	shalt  }
0x79: {  	_ =	shalt  }
0x7a: {  	_ =	shalt  }
0x7b: {  	_ =	shalt  }
0x7c: {  	_ =	shalt  }
0x7d: {  	_ =	shalt  }
0x7e: {  	_ =	shalt  }
0x7f: {  	_ =	shalt  }
0x80: {  	_ =	shalt  }
0x81: {  	_ =	shalt  }
0x82: {  	_ =	shalt  }
0x83: {  	_ =	shalt  }
0x84: {  	_ =	shalt  }
0x85: {  	_ =	shalt  }
0x86: {  	_ =	shalt  }
0x87: {  	_ =	shalt  }
.Lfunc_end0:
.L_simem_size_0:
called_computation_lowered:
.L_overlay_start_0:
0x88: {  	s2 =	sld [smem:$0x3FD9]  }
0x89: {  	s3 =	sld [smem:$0x3FFE];
	_ =	sdelay $0x1  }
0x8a: {  	s1 =	srdreg.scid  }
0x8b: {  	s0 =	sand.u32 $0x1, s1  }
0x8c: {  	s17 =	sshll.u32 s0, $0xA;
	s2 =	sadd.s32 s3, s2  }
0x8d: {  	s2 =	sadd.s32 s2, s17  }
0x8e: {  	[smem:$0x3FC3] =	sst s2  }
0x8f: {  	_ = 	snop  }
0x90: {  	s2 =	sld [smem:$0x3FC9];
	(tm) =	ssettm $0x1  }
0x91: {  	s18 =	sld [smem:$0x3FFB];
	_ =	sdelay $0x3  }
0x92: {  	_ =	strace s18  }
0x93: {  	s3 =	sld [smem:$0x3FFC];
	_ =	sdelay $0x3  }
0x94: {  	_ =	strace s3  }
0x95: {  	s3 =	sld [smem:$0x3FFD];
	_ =	sdelay $0x3  }
0x96: {  	_ =	strace s3  }
0x97: {  	_ =	strace $0x8FFFFFFF  }
0x98: {  	s19 =	sld [smem:$0x3FDB];
	_ =	sdelay $0x1  }
0x99: {  	s4 =	simm.s32 $_scs_section_size  }
0x9a: {  	s5 =	simm.s32 $_size__tile_overlayer_lowered;
	s6 =	simm.s32 $_tile_overlayer_lowered  }
0x9b: {  	s22 =	simm.s32 $0x1BFF;
	s21 =	sshll.u32 s6, $0x1;
	s3 =	sadd.s32 s4, s19  }
0x9c: {  	s7 =	simm.s32 $0x0;
	s20 =	sshll.u32 s5, $0x1;
	s5 =	sadd.s32 s21, s3  }
0x9d: {  	[timem:s7], [sflag:s22] =	dma.local [hbm:s5], s20  }
0x9e: {  	_ =	swait.ge [sflag:s22], s20  }
0x9f: {  	s4 =	ssub.s32 $0x0, s20;
	[sflag:s22] =	ssyncset.done $0x0  }
0xa0: {  	[sflag:s22] =	ssyncadd.s32 s4;
	_ =	sdelay $0x1  }
0xa1: {  	s23 =	simm.s32 $0x1B8B  }
0xa2: {  	_ =	swait.ge [sflag:s23], $0x1  }
0xa3: {  	[sflag:s23] =	ssyncset.done $0x0  }
0xa4: {  	s25 =	simm.s32 $0x1B8E;
	s24 =	sld [smem:$0x3FFE];
	[sflag:s23] =	ssyncadd.s32 $0xFFFFFFFF  }
0xa5: {  	s26 =	simm.s32 $execute0_lowered;
	[smem:$0x3FD2] =	sst s25  }
0xa6: {  	s5 =	sshll.u32 s26, $0x1;
	_ =	strace $0x80000046;
	[dreg:$0x1] =	wrdreg $0xFFFFFFFF  }
0xa7: {  	s28 =	simm.s32 $_size_execute0_lowered;
	s3 =	sadd.s32 s3, s5;
	[dreg:$0x0] =	wrdreg $0x0  }
0xa8: {  	s5 =	sshll.u32 s28, $0x1;
	[dreg:$0x2] =	wrdreg s3  }
0xa9: {  	[dreg:$0x3] =	wrdreg s5  }
0xaa: {  	[dreg:$0x4] =	wrdreg $0xC0  }
0xab: {  	_ =	task [dreg:s7], $0x5FFFF  }
0xac: {  	[dreg:$0x1] =	wrdreg $0xFFFFFFFF  }
0xad: {  	[dreg:$0x0] =	wrdreg $0x60  }
0xae: {  	[dreg:$0x2] =	wrdreg s2  }
0xaf: {  	[dreg:$0x3] =	wrdreg s24  }
0xb0: {  	[dreg:$0x4] =	wrdreg $0x9  }
0xb1: {  	_ =	task.clear_ibuf [dreg:s7], $0x5FFFF;
	_ =	strace $0x90000046  }
0xb2: {  	s29 =	simm.s32 $0x9;
	_ =	strace $0x80000048  }
0xb3: {  	_ =	swait.ge [sflag:s29], $0x1  }
0xb4: {  	[sflag:s29] =	ssyncadd.s32 $0xFFFFFFFF  }
0xb5: {  	_ =	strace $0x90000048  }
0xb6: {  	_ =	sfence  }
0xb7: {  	s30 =	sld [smem:$0x0];
	_ =	sdelay $0x2  }
0xb8: {  	s31 =	sshll.u32 s1, $0xD;
	s1 =	sshrl.u32 s1, $0x2  }
0xb9: {  	s3 =	sand.u32 $0x4000, s31;
	s1 =	sadd.s32 s1, s30  }
0xba: {  	s0 =	sor.u32 s3, s0;
	s1 =	sshll.u32 s1, $0x11  }
0xbb: {  	s0 =	sor.u32 s1, s0  }
0xbc: {  	s0 =	sadd.s32 $0x8F2B, s0  }
0xbd: {  	[sflag:s0] =	ssyncadd.remote.s32 $0x1  }
0xbe: {  	_ =	sfence.sel $0xFFFF  }
0xbf: {  	[dreg:$0x0] =	wrdreg $0xFFFFFFFF;
	(pc) =	sbr.abs _section_cstart, $3  }
0xc0: {  	[dreg:$0x1] =	wrdreg $0xFFFFFFFF  }
0xc1: {  	_ =	task.clear_ibuf [dreg:s7], $0x2FFFF;
	_ =	strace $0x9FFFFFFF  }
0xc2: {  	(tm) =	ssettm $0x7FFFFFFF  }
0xc3: {  	_ =	shalt  }
tec
execute0_lowered:
.L_overlay_start_1:
0x0: {  	(tag) =	ssettag $0x1  }
0x1: {  	s1 =	srdreg.scid;
	s3 =	rddreg [dreg:$0x0]  }
0x2: {  	s0 =	stileid.u32;
	s5 =	rddreg [dreg:$0x1];
	s2 =	simm.s32 $0x0  }
0x3: {  	s8 =	simm.s32 $0x1;
	s26 =	simm.s32 $0x880;
	s9 =	simm.s32 $0x2  }
0x4: {  	s11 =	simm.s32 $0x1880;
	s12 =	simm.s32 $0x2080;
	s13 =	simm.s32 $0x2880  }
0x5: {  	s14 =	simm.s32 $0x3080;
	s15 =	simm.s32 $0x3880;
	s16 =	simm.s32 $0x4080  }
0x6: {  	s17 =	simm.s32 $0x4880;
	s18 =	simm.s32 $0x5080;
	s19 =	simm.s32 $0x5880  }
0x7: {  	s20 =	simm.s32 $0x6080;
	s21 =	simm.s32 $0x6880;
	s22 =	simm.s32 $0x7080  }
0x8: {  	s23 =	simm.s32 $0x7880;
	s24 =	simm.s32 $0x8080;
	s25 =	simm.s32 $0x8880  }
0x9: {  	s28 =	simm.s32 $0x9880;
	s29 =	simm.s32 $0xA080;
	s30 =	simm.s32 $0xA880  }
0xa: {  	s31 =	simm.s32 $0xB080;
	s1 =	sand.u32 $0x1, s1;
	[smem:$0x7FF] =	sst s2  }
0xb: {  	s4 =	sshll.u32 s0, $0x4;
	s6 =	sshll.u32 s1, $0x3;
	_ =	strace $0x80000047  }
0xc: {  	s1 =	ssub.s32 $0x2, s1;
	[dreg:$0x5] =	wrdreg s26;
	s4 =	sor.u32 s6, s4  }
0xd: {  	s7 =	sshrl.u32 s1, $0x1;
	s6 =	sadd.s32 s4, s5;
	s4 =	smul.u32 $0x300, s4  }
0xe: {  	s26 =	simm.s32 $0x9080;
	s1 =	ssub.s32 s1, s7;
	s6 =	sadd.s32 $0xC00, s6  }
0xf: {  	v2 =	vlaneseq.u32;
	s7 =	simm.s32 $0x80;
	[dreg:$0x3] =	wrdreg s6;
	s4 =	sadd.s32 s3, s4  }
0x10: {  	vm0 =	vmmov $0xffff;
	v1 =	vshrl.u32 v2, $0x3;
	s3 =	sadd.s32 $0xE00, s5;
	s6 =	smax.u32 s1, $0x1;
	s1 =	simm.s32 $0xB880  }
0x11: {  	v0 =	vand.u32 $0x7, v2;
	v2 =	vor.u32 $0x8, v2;
	v1 =	vmul.u32 $0x8, v1;
	[dreg:$0x4] =	wrdreg s4;
	s4 =	sadd.s32 $0xF00, s5;
	s5 =	sadd.s32 $0x1000, s5  }
.LBB2_1:
0x12: {  	s0 =	rddreg [dreg:$0x3]  }
0x13: {  	[tilespmem:s2], [sflag:$0x1] =	stream.linear.gather [hbm4b:s0+s2], $0x40, $0x38;
	[tilespmem:$0xC080] =	vst v63  }
0x14: {  	s10 =	rddreg [dreg:$0x4]  }
0x15: {  	[tilespmem:s7], [sflag:$0x2] =	stream.linear.gather [hbm4b:s10+s2], $0xC000, $0x38;
	[tilespmem:$0xC080] =	vst v63  }
0x16: {  	_ =	swait.ge [sflag:s8], $0x40  }
0x17: {  	[sflag:s8] =	ssyncset.done $0x0  }
0x18: {  	[sflag:s8] =	ssyncadd.s32 $0xFFFFFFC0  }
0x19: {  	_ =	swait.ge [sflag:s9], $0xC000  }
0x1a: {  	[sflag:s9] =	ssyncset.done $0x0  }
0x1b: {  	[sflag:s9] =	ssyncadd.s32 $0xFFFF4000  }
0x1c: {  	v3 =	vld [tilespmem:$0x0];
	_ =	sdelay $0x4  }
0x1d: {  	v4 =	vshrl.u32 v3, $0x3  }
0x1e: {  	v4 =	vmul.u32 $0x30, v4  }
0x1f: {  	v3 =	vand.u32 $0x7, v3  }
0x20: {  	v3 =	vor.u32 v3, v4  }
0x21: {  	v4 =	vperm.xlane v3, v0;
	_ =	sdelay $0x1  }
0x22: {  	v4 =	vadd.s32 v1, v4;
	_ =	sdelay $0x3  }
0x23: {  	v3 =	vperm.xlane v3, v2  }
0x24: {  	[hbm4b:s3+s2] =	stream.indirect_vreg.scatter [tilespmem:s7], [sflag:$0x1], $0x80, v4, vm0, $0xb8;
	[tilespmem:$0xC080] =	vst v63  }
0x25: {  	s10 =	rddreg [dreg:$0x5];
	v3 =	vadd.s32 v1, v3  }
0x26: {  	[hbm4b:s4+s2] =	stream.indirect_vreg.scatter [tilespmem:s10], [sflag:$0x1], $0x80, v4, vm0, $0xb8;
	[tilespmem:$0xC080] =	vst v63  }
0x27: {  	s10 =	simm.s32 $0x1080  }
0x28: {  	[hbm4b:s5+s2] =	stream.indirect_vreg.scatter [tilespmem:s10], [sflag:$0x1], $0x80, v4, vm0, $0xb8;
	[tilespmem:$0xC080] =	vst v63  }
0x29: {  	_ = 	snop  }
0x2a: {  	[hbm4b:s3+s2] =	stream.indirect_vreg.scatter [tilespmem:s11], [sflag:$0x1], $0x80, v3, vm0, $0xb8;
	[tilespmem:$0xC080] =	vst v63  }
0x2b: {  	_ = 	snop  }
0x2c: {  	[hbm4b:s4+s2] =	stream.indirect_vreg.scatter [tilespmem:s12], [sflag:$0x1], $0x80, v3, vm0, $0xb8;
	[tilespmem:$0xC080] =	vst v63  }
0x2d: {  	_ = 	snop  }
0x2e: {  	[hbm4b:s5+s2] =	stream.indirect_vreg.scatter [tilespmem:s13], [sflag:$0x1], $0x80, v3, vm0, $0xb8;
	[tilespmem:$0xC080] =	vst v63  }
0x2f: {  	v3 =	vld [tilespmem:$0x10];
	_ =	sdelay $0x4  }
0x30: {  	v61 =	vshrl.u32 v3, $0x3  }
0x31: {  	v4 =	vmul.u32 $0x30, v61  }
0x32: {  	v3 =	vand.u32 $0x7, v3  }
0x33: {  	v3 =	vor.u32 v3, v4  }
0x34: {  	v4 =	vperm.xlane v3, v0;
	_ =	sdelay $0x1  }
0x35: {  	v4 =	vadd.s32 v1, v4;
	_ =	sdelay $0x3  }
0x36: {  	v3 =	vperm.xlane v3, v2  }
0x37: {  	[hbm4b:s3+s2] =	stream.indirect_vreg.scatter [tilespmem:s14], [sflag:$0x1], $0x80, v4, vm0, $0xb8;
	[tilespmem:$0xC080] =	vst v63  }
0x38: {  	v3 =	vadd.s32 v1, v3  }
0x39: {  	[hbm4b:s4+s2] =	stream.indirect_vreg.scatter [tilespmem:s15], [sflag:$0x1], $0x80, v4, vm0, $0xb8;
	[tilespmem:$0xC080] =	vst v63  }
0x3a: {  	_ = 	snop  }
0x3b: {  	[hbm4b:s5+s2] =	stream.indirect_vreg.scatter [tilespmem:s16], [sflag:$0x1], $0x80, v4, vm0, $0xb8;
	[tilespmem:$0xC080] =	vst v63  }
0x3c: {  	_ = 	snop  }
0x3d: {  	[hbm4b:s3+s2] =	stream.indirect_vreg.scatter [tilespmem:s17], [sflag:$0x1], $0x80, v3, vm0, $0xb8;
	[tilespmem:$0xC080] =	vst v63  }
0x3e: {  	_ = 	snop  }
0x3f: {  	[hbm4b:s4+s2] =	stream.indirect_vreg.scatter [tilespmem:s18], [sflag:$0x1], $0x80, v3, vm0, $0xb8;
	[tilespmem:$0xC080] =	vst v63  }
0x40: {  	_ = 	snop  }
0x41: {  	[hbm4b:s5+s2] =	stream.indirect_vreg.scatter [tilespmem:s19], [sflag:$0x1], $0x80, v3, vm0, $0xb8;
	[tilespmem:$0xC080] =	vst v63  }
0x42: {  	v3 =	vld [tilespmem:$0x20];
	_ =	sdelay $0x4  }
0x43: {  	v62 =	vshrl.u32 v3, $0x3  }
0x44: {  	v4 =	vmul.u32 $0x30, v62  }
0x45: {  	v3 =	vand.u32 $0x7, v3  }
0x46: {  	v3 =	vor.u32 v3, v4  }
0x47: {  	v4 =	vperm.xlane v3, v0;
	_ =	sdelay $0x1  }
0x48: {  	v4 =	vadd.s32 v1, v4;
	_ =	sdelay $0x3  }
0x49: {  	v3 =	vperm.xlane v3, v2  }
0x4a: {  	[hbm4b:s3+s2] =	stream.indirect_vreg.scatter [tilespmem:s20], [sflag:$0x1], $0x80, v4, vm0, $0xb8;
	[tilespmem:$0xC080] =	vst v63  }
0x4b: {  	v3 =	vadd.s32 v1, v3  }
0x4c: {  	[hbm4b:s4+s2] =	stream.indirect_vreg.scatter [tilespmem:s21], [sflag:$0x1], $0x80, v4, vm0, $0xb8;
	[tilespmem:$0xC080] =	vst v63  }
0x4d: {  	_ = 	snop  }
0x4e: {  	[hbm4b:s5+s2] =	stream.indirect_vreg.scatter [tilespmem:s22], [sflag:$0x1], $0x80, v4, vm0, $0xb8;
	[tilespmem:$0xC080] =	vst v63  }
0x4f: {  	_ = 	snop  }
0x50: {  	[hbm4b:s3+s2] =	stream.indirect_vreg.scatter [tilespmem:s23], [sflag:$0x1], $0x80, v3, vm0, $0xb8;
	[tilespmem:$0xC080] =	vst v63  }
0x51: {  	_ = 	snop  }
0x52: {  	[hbm4b:s4+s2] =	stream.indirect_vreg.scatter [tilespmem:s24], [sflag:$0x1], $0x80, v3, vm0, $0xb8;
	[tilespmem:$0xC080] =	vst v63  }
0x53: {  	_ = 	snop  }
0x54: {  	[hbm4b:s5+s2] =	stream.indirect_vreg.scatter [tilespmem:s25], [sflag:$0x1], $0x80, v3, vm0, $0xb8;
	[tilespmem:$0xC080] =	vst v63  }
0x55: {  	v3 =	vld [tilespmem:$0x30];
	_ =	sdelay $0x4  }
0x56: {  	v63 =	vshrl.u32 v3, $0x3  }
0x57: {  	v4 =	vmul.u32 $0x30, v63  }
0x58: {  	v3 =	vand.u32 $0x7, v3  }
0x59: {  	v3 =	vor.u32 v3, v4  }
0x5a: {  	v4 =	vperm.xlane v3, v0;
	_ =	sdelay $0x1  }
0x5b: {  	v4 =	vadd.s32 v1, v4;
	_ =	sdelay $0x3  }
0x5c: {  	v3 =	vperm.xlane v3, v2  }
0x5d: {  	[hbm4b:s3+s2] =	stream.indirect_vreg.scatter [tilespmem:s26], [sflag:$0x1], $0x80, v4, vm0, $0xb8;
	[tilespmem:$0xC080] =	vst v63  }
0x5e: {  	v3 =	vadd.s32 v1, v3  }
0x5f: {  	[hbm4b:s4+s2] =	stream.indirect_vreg.scatter [tilespmem:s28], [sflag:$0x1], $0x80, v4, vm0, $0xb8;
	[tilespmem:$0xC080] =	vst v63  }
0x60: {  	_ = 	snop  }
0x61: {  	[hbm4b:s5+s2] =	stream.indirect_vreg.scatter [tilespmem:s29], [sflag:$0x1], $0x80, v4, vm0, $0xb8;
	[tilespmem:$0xC080] =	vst v63  }
0x62: {  	_ = 	snop  }
0x63: {  	[hbm4b:s3+s2] =	stream.indirect_vreg.scatter [tilespmem:s30], [sflag:$0x1], $0x80, v3, vm0, $0xb8;
	[tilespmem:$0xC080] =	vst v63  }
0x64: {  	p0 =	sne.s32 s6, $0x1  }
0x65: {  	[hbm4b:s4+s2] =	stream.indirect_vreg.scatter [tilespmem:s31], [sflag:$0x1], $0x80, v3, vm0, $0xb8;
	[tilespmem:$0xC080] =	vst v63  }
.Ltmp0:
0x66: {  	_ = 	snop;
	(pc) =	sbr.rel @p0 .LBB2_1-.Ltmp0, $4  }
0x67: {  	[hbm4b:s5+s2] =	stream.indirect_vreg.scatter [tilespmem:s1], [sflag:$0x1], $0x80, v3, vm0, $0xb8;
	[tilespmem:$0xC080] =	vst v63  }
0x68: {  	_ =	swait.ge [sflag:s8], $0xC000  }
0x69: {  	[sflag:s8] =	ssyncset.done $0x0  }
0x6a: {  	s6 =	sadd.s32 $0xFFFFFFFF, s6;
	[sflag:s8] =	ssyncadd.s32 $0xFFFF4000  }
0x6b: {  	_ =	sfence.sel $0x180000  }
0x6c: {  	[bflag:$0x0] =	sbarrier.arrive $0xFFFF  }
0x6d: {  	_ =	strace $0x90000047  }
0x6e: {  	s0 =	stileid.u32;
	[bflag:$0x2] =	sbarrier.arrive $0xFFFF  }
0x6f: {  	p0 =	sne.s32 s0, $0x0;
	s0 =	rddreg [dreg:$0x2]  }
0x70: {  	s0 =	sadd.s32 @!p0 $0x100000, s0  }
0x71: {  	[sflag:s0] =	ssyncadd.tile.s32 @!p0 $0x1;
	_ =	shalt  }
.Lfunc_end2:
_tile_overlayer_lowered:
.L_overlay_start_2:
0x72: {  	(tag) =	ssettag $0x2  }
0x73: {  	s0 =	rddreg [dreg:$0x0];
	s2 =	stileid.u32  }
0x74: {  	s1 =	rddreg [dreg:$0x1];
	p0 =	sne.s32 s2, $0x0  }
0x75: {  	s3 =	rddreg [dreg:$0x2];
	[bflag:$0x3] =	sbarrier.arrive $0xFFFF;
	s2 =	simm.s32 @!p0 $0x1C03  }
0x76: {  	[timem:s3], [sflag:s2] =	dma.local @!p0 [hbm:s0], s1  }
0x77: {  	s0 =	simm.s32 @!p0 $0x3  }
0x78: {  	_ =	swait.ge @!p0 [sflag:s0], s1  }
0x79: {  	s1 =	ssub.s32 @!p0 $0x0, s1;
	[sflag:s0] =	ssyncset.done @!p0 $0x0  }
0x7a: {  	[sflag:s0] =	ssyncadd.s32 @!p0 s1  }
0x7b: {  	[bflag:$0x3] =	sbarrier.arrive $0xFFFF  }
0x7c: {  	_ =	shalt  }

// kernel: kernel.9.cloned.1.call-start
scs
__scs_entry_jumppad:
0x0: {  	(pc) =	sbr.rel $0x88, $3  }
0x1: {  	(tag) =	ssettag $0x0;
	lr =	simm.s32 $0x1  }
0x2: {  	[smem:$0x3F9C] =	sst lr;
	_ =	strace $0xD0000000  }
0x3: {  	_ = 	snop  }
0x4: {  	_ = 	snop  }
0x5: {  	_ = 	snop  }
0x6: {  	_ = 	snop  }
0x7: {  	_ = 	snop  }
__scs_overlays_trampoline_lowered:
0x8: {  	[smem:$0x3FAB] =	sst s0  }
0x9: {  	[smem:$0x3FAC] =	sst s1  }
0xa: {  	[smem:$0x3FAD] =	sst s2  }
0xb: {  	[smem:$0x3FAE] =	sst s3  }
0xc: {  	[smem:$0x3FAF] =	sst s4  }
0xd: {  	[smem:$0x3FB0] =	sst s5  }
0xe: {  	[smem:$0x3FB1] =	sst s6  }
0xf: {  	[smem:$0x3FB2] =	sst s7  }
0x10: {  	[smem:$0x3FB3] =	sst s8  }
0x11: {  	[smem:$0x3FB4] =	sst s9;
	s0 =	simm.s32 @!p0 $0x0  }
0x12: {  	s1 =	sld [smem:$0x3F9A];
	s0 =	simm.s32 @p0 $0x1  }
0x13: {  	[smem:$0x3FB5] =	sst s0;
	s0 =	simm.s32 @!p1 $0x0  }
0x14: {  	s2 =	sld [smem:$0x3F99];
	s0 =	simm.s32 @p1 $0x1  }
0x15: {  	[smem:$0x3FB6] =	sst s0;
	s0 =	simm.s32 @!p2 $0x0  }
0x16: {  	s3 =	sld [smem:$0x3FDB];
	s0 =	simm.s32 @p2 $0x1  }
0x17: {  	s4 =	simm.s32 $0x1BF5;
	[smem:$0x3FB8] =	sst s0  }
0x18: {  	s0 =	sld [smem:$0x3F9B];
	_ =	swait.ge [sflag:s4], $0x0  }
0x19: {  	s7 =	sld [smem:$0x3F9C]  }
0x1a: {  	s8 =	sadd.s32 $0xFFFFE003, lr  }
0x1b: {  	s9 =	sadd.s32 $0xFFFFFEF7, lr;
	s5 =	simm.s32 $0xFFFFFFFF;
	p2 =	slt.u32 s8, $0xFFFFF086  }
0x1c: {  	p1 =	slt.u32 s9, $0xF7A;
	s5 =	simm.s32 @!p2 $0x0  }
0x1d: {  	s5 =	simm.s32 @p1 $0x1;
	p0 =	seq.s32 s7, s2  }
0x1e: {  	s7 =	smul.u32 @!p0 $0xF7A, s2;
	p2 =	seq.s32 @!p0 s5, $0x0  }
0x1f: {  	s9 =	smul.u32 $0xF7A, s1;
	s8 =	simm.s32 @!p0 $0x1BF5;
	p2 =	por !p2, p0  }
0x20: {  	[sflag:s8] =	ssyncset.s32 @!p0 $0xFFFFF086;
	s6 =	sadd.s32 @!p0 s3, s7;
	s7 =	simm.s32 @!p0 $0x108  }
0x21: {  	s3 =	sadd.s32 s3, s9;
	s6 =	sadd.s32 @!p0 $0x88, s6;
	s7 =	simm.s32 @p2 $0x1082  }
0x22: {  	[simem:s7], [sflag:s8] =	dma.local @!p0 [hbm:s6], $0xF7A  }
0x23: {  	s9 =	sor.u32 $0xD0000000, s2;
	s6 =	simm.s32 $0x108;
	_ =	swait.ge @!p0 [sflag:s8], $0x0  }
0x24: {  	s3 =	sadd.s32 $0x88, s3;
	s6 =	simm.s32 @!p1 $0x1082;
	[sflag:s4] =	ssyncset.s32 $0xFFFFF086  }
0x25: {  	[simem:s6], [sflag:s4] =	dma.local [hbm:s3], $0xF7A  }
0x26: {  	[smem:$0x3F9C] =	sst s1;
	(tag) =	ssettag s2;
	_ =	strace s9  }
0x27: {  	s1 =	sld [smem:$0x3FAC]  }
0x28: {  	s2 =	sld [smem:$0x3FAD]  }
0x29: {  	s4 =	sld [smem:$0x3FAF]  }
0x2a: {  	p0 =	seq.s32 s5, $0x0;
	s5 =	sld [smem:$0x3FB0]  }
0x2b: {  	s6 =	sld [smem:$0x3FB1]  }
0x2c: {  	s7 =	sld [smem:$0x3FB2]  }
0x2d: {  	s3 =	simm.s32 $0x108;
	s8 =	sld [smem:$0x3FB3]  }
0x2e: {  	s3 =	simm.s32 @!p0 $0x1082;
	s9 =	sld [smem:$0x3FB4]  }
0x2f: {  	lr =	sadd.s32 s0, s3;
	s0 =	sld [smem:$0x3FAB]  }
0x30: {  	s3 =	sld [smem:$0x3FAE]  }
0x31: {  	[smem:$0x3FB7] =	sst s10  }
0x32: {  	s10 =	sld [smem:$0x3FB5];
	_ =	sdelay $0x3  }
0x33: {  	p0 =	seq.s32 s10, $0x1;
	s10 =	sld [smem:$0x3FB7];
	_ =	sdelay $0x3  }
0x34: {  	[smem:$0x3FB7] =	sst s10  }
0x35: {  	s10 =	sld [smem:$0x3FB6];
	_ =	sdelay $0x3  }
0x36: {  	p1 =	seq.s32 s10, $0x1;
	s10 =	sld [smem:$0x3FB7];
	_ =	sdelay $0x3  }
0x37: {  	[smem:$0x3FB7] =	sst s10  }
0x38: {  	s10 =	sld [smem:$0x3FB8]  }
0x39: {  	_ = 	snop;
	(pc) =	sbr.ind lr, $3  }
0x3a: {  	_ = 	snop  }
0x3b: {  	_ = 	snop  }
0x3c: {  	p2 =	seq.s32 s10, $0x1;
	s10 =	sld [smem:$0x3FB7]  }
0x3d: {  	_ =	shalt  }
0x3e: {  	_ =	shalt  }
0x3f: {  	_ =	shalt  }
0x40: {  	_ =	shalt  }
0x41: {  	_ =	shalt  }
0x42: {  	_ =	shalt  }
0x43: {  	_ =	shalt  }
0x44: {  	_ =	shalt  }
0x45: {  	_ =	shalt  }
0x46: {  	_ =	shalt  }
0x47: {  	_ =	shalt  }
0x48: {  	_ =	shalt  }
0x49: {  	_ =	shalt  }
0x4a: {  	_ =	shalt  }
0x4b: {  	_ =	shalt  }
0x4c: {  	_ =	shalt  }
0x4d: {  	_ =	shalt  }
0x4e: {  	_ =	shalt  }
0x4f: {  	_ =	shalt  }
0x50: {  	_ =	shalt  }
0x51: {  	_ =	shalt  }
0x52: {  	_ =	shalt  }
0x53: {  	_ =	shalt  }
0x54: {  	_ =	shalt  }
0x55: {  	_ =	shalt  }
0x56: {  	_ =	shalt  }
0x57: {  	_ =	shalt  }
0x58: {  	_ =	shalt  }
0x59: {  	_ =	shalt  }
0x5a: {  	_ =	shalt  }
0x5b: {  	_ =	shalt  }
0x5c: {  	_ =	shalt  }
0x5d: {  	_ =	shalt  }
0x5e: {  	_ =	shalt  }
0x5f: {  	_ =	shalt  }
0x60: {  	_ =	shalt  }
0x61: {  	_ =	shalt  }
0x62: {  	_ =	shalt  }
0x63: {  	_ =	shalt  }
0x64: {  	_ =	shalt  }
0x65: {  	_ =	shalt  }
0x66: {  	_ =	shalt  }
0x67: {  	_ =	shalt  }
0x68: {  	_ =	shalt  }
0x69: {  	_ =	shalt  }
0x6a: {  	_ =	shalt  }
0x6b: {  	_ =	shalt  }
0x6c: {  	_ =	shalt  }
0x6d: {  	_ =	shalt  }
0x6e: {  	_ =	shalt  }
0x6f: {  	_ =	shalt  }
0x70: {  	_ =	shalt  }
0x71: {  	_ =	shalt  }
0x72: {  	_ =	shalt  }
0x73: {  	_ =	shalt  }
0x74: {  	_ =	shalt  }
0x75: {  	_ =	shalt  }
0x76: {  	_ =	shalt  }
0x77: {  	_ =	shalt  }
0x78: {  	_ =	shalt  }
0x79: {  	_ =	shalt  }
0x7a: {  	_ =	shalt  }
0x7b: {  	_ =	shalt  }
0x7c: {  	_ =	shalt  }
0x7d: {  	_ =	shalt  }
0x7e: {  	_ =	shalt  }
0x7f: {  	_ =	shalt  }
0x80: {  	_ =	shalt  }
0x81: {  	_ =	shalt  }
0x82: {  	_ =	shalt  }
0x83: {  	_ =	shalt  }
0x84: {  	_ =	shalt  }
0x85: {  	_ =	shalt  }
0x86: {  	_ =	shalt  }
0x87: {  	_ =	shalt  }
.Lfunc_end0:
.L_simem_size_0:
called_computation.1_lowered:
.L_overlay_start_0:
0x88: {  	s2 =	sld [smem:$0x3FD9]  }
0x89: {  	s3 =	sld [smem:$0x3FFE];
	_ =	sdelay $0x1  }
0x8a: {  	s1 =	srdreg.scid  }
0x8b: {  	s0 =	sand.u32 $0x1, s1  }
0x8c: {  	s14 =	sshll.u32 s0, $0xA;
	s2 =	sadd.s32 s3, s2  }
0x8d: {  	s2 =	sadd.s32 s2, s14  }
0x8e: {  	[smem:$0x3FC3] =	sst s2  }
0x8f: {  	_ = 	snop  }
0x90: {  	s2 =	sld [smem:$0x3FD0];
	_ =	sdelay $0x2  }
0x91: {  	s15 =	simm.s32 $0xA;
	s4 =	simm.s32 $0x10  }
0x92: {  	[smem:s4], [sflag:s15] =	dma.local [hbm:s2], $0x1  }
0x93: {  	_ =	swait.eq [sflag:s15], $0x1  }
0x94: {  	[sflag:s15] =	ssyncset.done $0x0  }
0x95: {  	[sflag:s15] =	ssyncadd.s32 $0xFFFFFFFF  }
0x96: {  	s16 =	sld [smem:$0x10];
	(tm) =	ssettm $0x1  }
0x97: {  	s17 =	sld [smem:$0x3FFB];
	_ =	sdelay $0x3  }
0x98: {  	_ =	strace s17  }
0x99: {  	s3 =	sld [smem:$0x3FFC];
	_ =	sdelay $0x3  }
0x9a: {  	_ =	strace s3  }
0x9b: {  	s3 =	sld [smem:$0x3FFD];
	_ =	sdelay $0x3  }
0x9c: {  	_ =	strace s3  }
0x9d: {  	_ =	strace $0x8FFFFFFF  }
0x9e: {  	s18 =	sld [smem:$0x3FDB];
	_ =	sdelay $0x1  }
0x9f: {  	s19 =	simm.s32 $_scs_section_size  }
0xa0: {  	s5 =	simm.s32 $_size__tile_overlayer_lowered;
	s6 =	simm.s32 $_tile_overlayer_lowered  }
0xa1: {  	s22 =	simm.s32 $0x1BFF;
	s21 =	sshll.u32 s6, $0x1;
	s3 =	sadd.s32 s19, s18  }
0xa2: {  	s7 =	simm.s32 $0x0;
	s20 =	sshll.u32 s5, $0x1;
	s5 =	sadd.s32 s21, s3  }
0xa3: {  	[timem:s7], [sflag:s22] =	dma.local [hbm:s5], s20  }
0xa4: {  	_ =	swait.ge [sflag:s22], s20  }
0xa5: {  	s4 =	ssub.s32 $0x0, s20;
	[sflag:s22] =	ssyncset.done $0x0  }
0xa6: {  	[sflag:s22] =	ssyncadd.s32 s4;
	_ =	sdelay $0x1  }
0xa7: {  	s23 =	simm.s32 $0x1B8B  }
0xa8: {  	_ =	swait.ge [sflag:s23], $0x1  }
0xa9: {  	[sflag:s23] =	ssyncset.done $0x0  }
0xaa: {  	s25 =	simm.s32 $0x1B8E;
	s24 =	sld [smem:$0x3FFE];
	[sflag:s23] =	ssyncadd.s32 $0xFFFFFFFF  }
0xab: {  	s26 =	simm.s32 $execute0_lowered;
	[smem:$0x3FD2] =	sst s25  }
0xac: {  	s5 =	sshll.u32 s26, $0x1;
	_ =	strace $0x80000049;
	[dreg:$0x1] =	wrdreg $0xFFFFFFFF  }
0xad: {  	s28 =	simm.s32 $_size_execute0_lowered;
	s3 =	sadd.s32 s3, s5;
	[dreg:$0x0] =	wrdreg $0x0  }
0xae: {  	s5 =	sshll.u32 s28, $0x1;
	[dreg:$0x2] =	wrdreg s3  }
0xaf: {  	[dreg:$0x3] =	wrdreg s5  }
0xb0: {  	[dreg:$0x4] =	wrdreg $0xC0  }
0xb1: {  	_ =	task [dreg:s7], $0x5FFFF  }
0xb2: {  	[dreg:$0x1] =	wrdreg $0xFFFFFFFF  }
0xb3: {  	[dreg:$0x0] =	wrdreg $0x60  }
0xb4: {  	[dreg:$0x2] =	wrdreg s24  }
0xb5: {  	[dreg:$0x3] =	wrdreg s16  }
0xb6: {  	[dreg:$0x4] =	wrdreg $0x9  }
0xb7: {  	_ =	task.clear_ibuf [dreg:s7], $0x5FFFF;
	_ =	strace $0x90000049  }
0xb8: {  	s29 =	simm.s32 $0x9;
	_ =	strace $0x8000004B  }
0xb9: {  	_ =	swait.ge [sflag:s29], $0x1  }
0xba: {  	[sflag:s29] =	ssyncadd.s32 $0xFFFFFFFF  }
0xbb: {  	_ =	strace $0x9000004B  }
0xbc: {  	_ =	sfence  }
0xbd: {  	s30 =	sld [smem:$0x0];
	_ =	sdelay $0x2  }
0xbe: {  	s31 =	sshll.u32 s1, $0xD;
	s1 =	sshrl.u32 s1, $0x2  }
0xbf: {  	s3 =	sand.u32 $0x4000, s31;
	s1 =	sadd.s32 s1, s30  }
0xc0: {  	s0 =	sor.u32 s3, s0;
	s1 =	sshll.u32 s1, $0x11  }
0xc1: {  	s0 =	sor.u32 s1, s0  }
0xc2: {  	s0 =	sadd.s32 $0x8F2B, s0  }
0xc3: {  	[sflag:s0] =	ssyncadd.remote.s32 $0x1  }
0xc4: {  	_ =	sfence.sel $0xFFFF  }
0xc5: {  	[dreg:$0x0] =	wrdreg $0xFFFFFFFF;
	(pc) =	sbr.abs _section_cstart, $3  }
0xc6: {  	[dreg:$0x1] =	wrdreg $0xFFFFFFFF  }
0xc7: {  	_ =	task.clear_ibuf [dreg:s7], $0x2FFFF;
	_ =	strace $0x9FFFFFFF  }
0xc8: {  	(tm) =	ssettm $0x7FFFFFFF  }
0xc9: {  	_ =	shalt  }
tec
execute0_lowered:
.L_overlay_start_1:
0x0: {  	(tag) =	ssettag $0x1  }
0x1: {  	s0 =	rddreg [dreg:$0x0]  }
0x2: {  	s4 =	rddreg [dreg:$0x1];
	s2 =	srdreg.scid  }
0x3: {  	s1 =	stileid.u32;
	s25 =	simm.s32 $0x880;
	s26 =	simm.s32 $0x1080  }
0x4: {  	s10 =	simm.s32 $0x2080;
	s11 =	simm.s32 $0x2880;
	s12 =	simm.s32 $0x3080  }
0x5: {  	s13 =	simm.s32 $0x3880;
	s14 =	simm.s32 $0x4080;
	s15 =	simm.s32 $0x4880  }
0x6: {  	s16 =	simm.s32 $0x5080;
	s17 =	simm.s32 $0x5880;
	s18 =	simm.s32 $0x6080  }
0x7: {  	s19 =	simm.s32 $0x6880;
	s20 =	simm.s32 $0x7080;
	s21 =	simm.s32 $0x7880  }
0x8: {  	s22 =	simm.s32 $0x8080;
	s28 =	simm.s32 $0xA880;
	s29 =	simm.s32 $0xB080  }
0x9: {  	s30 =	simm.s32 $0xB880;
	s31 =	simm.s32 $0x1;
	s5 =	sand.u32 $0x1, s2  }
0xa: {  	s2 =	simm.s32 $0x0;
	s3 =	sshll.u32 s1, $0x4;
	s6 =	sshll.u32 s5, $0x3  }
0xb: {  	[smem:$0x7FF] =	sst s2;
	s5 =	ssub.s32 $0x2, s5;
	s6 =	sor.u32 s6, s3  }
0xc: {  	_ =	strace $0x8000004A;
	s3 =	sadd.s32 $0xE00, s0;
	[dreg:$0x6] =	wrdreg s25  }
0xd: {  	s9 =	sshrl.u32 s5, $0x1;
	[dreg:$0x7] =	wrdreg s26;
	s25 =	simm.s32 $0x9880  }
0xe: {  	s26 =	simm.s32 $0xA080;
	s7 =	smul.u32 $0x1800, s6;
	s8 =	sadd.s32 s6, s0  }
0xf: {  	s6 =	smul.u32 $0x300, s6;
	s23 =	ssub.s32 s5, s9;
	s8 =	sadd.s32 $0xC00, s8  }
0x10: {  	s5 =	sadd.s32 $0x1000, s0;
	s7 =	sshrl.u32 s7, $0x3;
	[dreg:$0x3] =	wrdreg s8  }
0x11: {  	s6 =	sadd.s32 s4, s6;
	s8 =	simm.s32 $0x80;
	s4 =	sadd.s32 s4, s7  }
0x12: {  	v2 =	vlaneseq.u32;
	[dreg:$0x4] =	wrdreg s6;
	s6 =	smax.u32 s23, $0x1;
	s7 =	simm.s32 $0x3  }
0x13: {  	vm0 =	vmmov $0xffff;
	v1 =	vshrl.u32 v2, $0x3;
	s23 =	simm.s32 $0x8880;
	s24 =	sadd.s32 $0xC00, s4;
	s4 =	sadd.s32 $0xF00, s0  }
0x14: {  	v0 =	vand.u32 $0x7, v2;
	v2 =	vor.u32 $0x8, v2;
	v1 =	vmul.u32 $0x8, v1;
	s0 =	simm.s32 $0x2;
	[dreg:$0x5] =	wrdreg s24;
	s24 =	simm.s32 $0x9080  }
.LBB2_1:
0x15: {  	s1 =	rddreg [dreg:$0x3]  }
0x16: {  	[tilespmem:s2], [sflag:$0x3] =	stream.linear.gather [hbm4b:s1+s2], $0x40, $0x38;
	[tilespmem:$0xC080] =	vst v63  }
0x17: {  	_ =	swait.ge [sflag:s7], $0x40  }
0x18: {  	[sflag:s7] =	ssyncset.done $0x0  }
0x19: {  	[sflag:s7] =	ssyncadd.s32 $0xFFFFFFC0  }
0x1a: {  	v3 =	vld [tilespmem:$0x0];
	_ =	sdelay $0x4  }
0x1b: {  	v4 =	vshrl.u32 v3, $0x3  }
0x1c: {  	v4 =	vmul.u32 $0x30, v4  }
0x1d: {  	v3 =	vand.u32 $0x7, v3  }
0x1e: {  	v3 =	vor.u32 v3, v4  }
0x1f: {  	v4 =	vperm.xlane v3, v0;
	_ =	sdelay $0x1  }
0x20: {  	v4 =	vadd.s32 v1, v4;
	_ =	sdelay $0x3  }
0x21: {  	v3 =	vperm.xlane v3, v2  }
0x22: {  	[tilespmem:s8], [sflag:$0x1] =	stream.indirect_vreg.gather [hbm4b:s3+s2], $0x80, v4, vm0, $0xb8;
	[tilespmem:$0xC080] =	vst v63  }
0x23: {  	s1 =	rddreg [dreg:$0x6];
	v3 =	vadd.s32 v1, v3  }
0x24: {  	[tilespmem:s1], [sflag:$0x1] =	stream.indirect_vreg.gather [hbm4b:s4+s2], $0x80, v4, vm0, $0xb8;
	[tilespmem:$0xC080] =	vst v63  }
0x25: {  	s9 =	rddreg [dreg:$0x7]  }
0x26: {  	[tilespmem:s9], [sflag:$0x1] =	stream.indirect_vreg.gather [hbm4b:s5+s2], $0x80, v4, vm0, $0xb8;
	[tilespmem:$0xC080] =	vst v63  }
0x27: {  	s9 =	simm.s32 $0x1880  }
0x28: {  	[tilespmem:s9], [sflag:$0x1] =	stream.indirect_vreg.gather [hbm4b:s3+s2], $0x80, v3, vm0, $0xb8;
	[tilespmem:$0xC080] =	vst v63  }
0x29: {  	_ = 	snop  }
0x2a: {  	[tilespmem:s10], [sflag:$0x1] =	stream.indirect_vreg.gather [hbm4b:s4+s2], $0x80, v3, vm0, $0xb8;
	[tilespmem:$0xC080] =	vst v63  }
0x2b: {  	_ = 	snop  }
0x2c: {  	[tilespmem:s11], [sflag:$0x1] =	stream.indirect_vreg.gather [hbm4b:s5+s2], $0x80, v3, vm0, $0xb8;
	[tilespmem:$0xC080] =	vst v63  }
0x2d: {  	v3 =	vld [tilespmem:$0x10];
	_ =	sdelay $0x4  }
0x2e: {  	v61 =	vshrl.u32 v3, $0x3  }
0x2f: {  	v4 =	vmul.u32 $0x30, v61  }
0x30: {  	v3 =	vand.u32 $0x7, v3  }
0x31: {  	v3 =	vor.u32 v3, v4  }
0x32: {  	v4 =	vperm.xlane v3, v0;
	_ =	sdelay $0x1  }
0x33: {  	v4 =	vadd.s32 v1, v4;
	_ =	sdelay $0x3  }
0x34: {  	v3 =	vperm.xlane v3, v2  }
0x35: {  	[tilespmem:s12], [sflag:$0x1] =	stream.indirect_vreg.gather [hbm4b:s3+s2], $0x80, v4, vm0, $0xb8;
	[tilespmem:$0xC080] =	vst v63  }
0x36: {  	v3 =	vadd.s32 v1, v3  }
0x37: {  	[tilespmem:s13], [sflag:$0x1] =	stream.indirect_vreg.gather [hbm4b:s4+s2], $0x80, v4, vm0, $0xb8;
	[tilespmem:$0xC080] =	vst v63  }
0x38: {  	_ = 	snop  }
0x39: {  	[tilespmem:s14], [sflag:$0x1] =	stream.indirect_vreg.gather [hbm4b:s5+s2], $0x80, v4, vm0, $0xb8;
	[tilespmem:$0xC080] =	vst v63  }
0x3a: {  	_ = 	snop  }
0x3b: {  	[tilespmem:s15], [sflag:$0x1] =	stream.indirect_vreg.gather [hbm4b:s3+s2], $0x80, v3, vm0, $0xb8;
	[tilespmem:$0xC080] =	vst v63  }
0x3c: {  	_ = 	snop  }
0x3d: {  	[tilespmem:s16], [sflag:$0x1] =	stream.indirect_vreg.gather [hbm4b:s4+s2], $0x80, v3, vm0, $0xb8;
	[tilespmem:$0xC080] =	vst v63  }
0x3e: {  	_ = 	snop  }
0x3f: {  	[tilespmem:s17], [sflag:$0x1] =	stream.indirect_vreg.gather [hbm4b:s5+s2], $0x80, v3, vm0, $0xb8;
	[tilespmem:$0xC080] =	vst v63  }
0x40: {  	v3 =	vld [tilespmem:$0x20];
	_ =	sdelay $0x4  }
0x41: {  	v62 =	vshrl.u32 v3, $0x3  }
0x42: {  	v4 =	vmul.u32 $0x30, v62  }
0x43: {  	v3 =	vand.u32 $0x7, v3  }
0x44: {  	v3 =	vor.u32 v3, v4  }
0x45: {  	v4 =	vperm.xlane v3, v0;
	_ =	sdelay $0x1  }
0x46: {  	v4 =	vadd.s32 v1, v4;
	_ =	sdelay $0x3  }
0x47: {  	v3 =	vperm.xlane v3, v2  }
0x48: {  	[tilespmem:s18], [sflag:$0x2] =	stream.indirect_vreg.gather [hbm4b:s3+s2], $0x80, v4, vm0, $0xb8;
	[tilespmem:$0xC080] =	vst v63  }
0x49: {  	v3 =	vadd.s32 v1, v3  }
0x4a: {  	[tilespmem:s19], [sflag:$0x2] =	stream.indirect_vreg.gather [hbm4b:s4+s2], $0x80, v4, vm0, $0xb8;
	[tilespmem:$0xC080] =	vst v63  }
0x4b: {  	_ = 	snop  }
0x4c: {  	[tilespmem:s20], [sflag:$0x2] =	stream.indirect_vreg.gather [hbm4b:s5+s2], $0x80, v4, vm0, $0xb8;
	[tilespmem:$0xC080] =	vst v63  }
0x4d: {  	_ = 	snop  }
0x4e: {  	[tilespmem:s21], [sflag:$0x2] =	stream.indirect_vreg.gather [hbm4b:s3+s2], $0x80, v3, vm0, $0xb8;
	[tilespmem:$0xC080] =	vst v63  }
0x4f: {  	_ = 	snop  }
0x50: {  	[tilespmem:s22], [sflag:$0x2] =	stream.indirect_vreg.gather [hbm4b:s4+s2], $0x80, v3, vm0, $0xb8;
	[tilespmem:$0xC080] =	vst v63  }
0x51: {  	_ = 	snop  }
0x52: {  	[tilespmem:s23], [sflag:$0x2] =	stream.indirect_vreg.gather [hbm4b:s5+s2], $0x80, v3, vm0, $0xb8;
	[tilespmem:$0xC080] =	vst v63  }
0x53: {  	v3 =	vld [tilespmem:$0x30];
	_ =	sdelay $0x4  }
0x54: {  	v63 =	vshrl.u32 v3, $0x3  }
0x55: {  	v4 =	vmul.u32 $0x30, v63  }
0x56: {  	v3 =	vand.u32 $0x7, v3  }
0x57: {  	v3 =	vor.u32 v3, v4  }
0x58: {  	v4 =	vperm.xlane v3, v0;
	_ =	sdelay $0x1  }
0x59: {  	v4 =	vadd.s32 v1, v4;
	_ =	sdelay $0x3  }
0x5a: {  	v3 =	vperm.xlane v3, v2  }
0x5b: {  	[tilespmem:s24], [sflag:$0x2] =	stream.indirect_vreg.gather [hbm4b:s3+s2], $0x80, v4, vm0, $0xb8;
	[tilespmem:$0xC080] =	vst v63  }
0x5c: {  	v3 =	vadd.s32 v1, v3  }
0x5d: {  	[tilespmem:s25], [sflag:$0x2] =	stream.indirect_vreg.gather [hbm4b:s4+s2], $0x80, v4, vm0, $0xb8;
	[tilespmem:$0xC080] =	vst v63  }
0x5e: {  	_ = 	snop  }
0x5f: {  	[tilespmem:s26], [sflag:$0x2] =	stream.indirect_vreg.gather [hbm4b:s5+s2], $0x80, v4, vm0, $0xb8;
	[tilespmem:$0xC080] =	vst v63  }
0x60: {  	_ = 	snop  }
0x61: {  	[tilespmem:s28], [sflag:$0x2] =	stream.indirect_vreg.gather [hbm4b:s3+s2], $0x80, v3, vm0, $0xb8;
	[tilespmem:$0xC080] =	vst v63  }
0x62: {  	_ = 	snop  }
0x63: {  	[tilespmem:s29], [sflag:$0x2] =	stream.indirect_vreg.gather [hbm4b:s4+s2], $0x80, v3, vm0, $0xb8;
	[tilespmem:$0xC080] =	vst v63  }
0x64: {  	_ = 	snop  }
0x65: {  	[tilespmem:s30], [sflag:$0x2] =	stream.indirect_vreg.gather [hbm4b:s5+s2], $0x80, v3, vm0, $0xb8;
	[tilespmem:$0xC080] =	vst v63  }
0x66: {  	_ =	swait.ge [sflag:s31], $0x6000  }
0x67: {  	[sflag:s31] =	ssyncset.done $0x0  }
0x68: {  	s9 =	rddreg [dreg:$0x4];
	[sflag:s31] =	ssyncadd.s32 $0xFFFFA000  }
0x69: {  	[hbm4b:s9+s2] =	stream.linear.scatter [tilespmem:s8], [sflag:$0x3], $0x6000, $0x38;
	[tilespmem:$0xC080] =	vst v63  }
0x6a: {  	_ =	swait.ge [sflag:s7], $0x6000  }
0x6b: {  	[sflag:s7] =	ssyncset.done $0x0  }
0x6c: {  	[sflag:s7] =	ssyncadd.s32 $0xFFFFA000  }
0x6d: {  	_ =	swait.ge [sflag:s0], $0x6000  }
0x6e: {  	p0 =	sne.s32 s6, $0x1;
	[sflag:s0] =	ssyncset.done $0x0  }
.Ltmp0:
0x6f: {  	s9 =	rddreg [dreg:$0x5];
	[sflag:s0] =	ssyncadd.s32 $0xFFFFA000;
	(pc) =	sbr.rel @p0 .LBB2_1-.Ltmp0, $4  }
0x70: {  	[hbm4b:s9+s2] =	stream.linear.scatter [tilespmem:s18], [sflag:$0x3], $0x6000, $0x38;
	[tilespmem:$0xC080] =	vst v63  }
0x71: {  	_ =	swait.ge [sflag:s7], $0x6000  }
0x72: {  	[sflag:s7] =	ssyncset.done $0x0  }
0x73: {  	s6 =	sadd.s32 $0xFFFFFFFF, s6;
	[sflag:s7] =	ssyncadd.s32 $0xFFFFA000  }
0x74: {  	_ =	sfence.sel $0x180000  }
0x75: {  	[bflag:$0x0] =	sbarrier.arrive $0xFFFF  }
0x76: {  	_ =	strace $0x9000004A  }
0x77: {  	s0 =	stileid.u32;
	[bflag:$0x2] =	sbarrier.arrive $0xFFFF  }
0x78: {  	p0 =	sne.s32 s0, $0x0;
	s0 =	rddreg [dreg:$0x2]  }
0x79: {  	s0 =	sadd.s32 @!p0 $0x100000, s0  }
0x7a: {  	[sflag:s0] =	ssyncadd.tile.s32 @!p0 $0x1;
	_ =	shalt  }
.Lfunc_end2:
_tile_overlayer_lowered:
.L_overlay_start_2:
0x7b: {  	(tag) =	ssettag $0x2  }
0x7c: {  	s0 =	rddreg [dreg:$0x0];
	s2 =	stileid.u32  }
0x7d: {  	s1 =	rddreg [dreg:$0x1];
	p0 =	sne.s32 s2, $0x0  }
0x7e: {  	s3 =	rddreg [dreg:$0x2];
	[bflag:$0x3] =	sbarrier.arrive $0xFFFF;
	s2 =	simm.s32 @!p0 $0x1C03  }
0x7f: {  	[timem:s3], [sflag:s2] =	dma.local @!p0 [hbm:s0], s1  }
0x80: {  	s0 =	simm.s32 @!p0 $0x3  }
0x81: {  	_ =	swait.ge @!p0 [sflag:s0], s1  }
0x82: {  	s1 =	ssub.s32 @!p0 $0x0, s1;
	[sflag:s0] =	ssyncset.done @!p0 $0x0  }
0x83: {  	[sflag:s0] =	ssyncadd.s32 @!p0 s1  }
0x84: {  	[bflag:$0x3] =	sbarrier.arrive $0xFFFF  }
0x85: {  	_ =	shalt  }

</sc_bundles>
